<compile_context>
chip_gen: v7x
topology: tpu7x:2x2x1
jax: 0.10.2.dev20260603
libtpu: 0.0.44.dev20260713+nightly
codegen_flags: <defaults>
</compile_context>

<pallas_src>
import jax
import jax.numpy as jnp
from jax import lax
from jax.experimental import pallas as pl
from jax.experimental.pallas import tpu as pltpu
from jax.experimental.pallas import tpu_sc as plsc

N_NODES = 1_000_000
MEM_DIM = 64
BATCH = 16384

LANES = 16
NUM_CORES = 2
NUM_SUBCORES = 16
NUM_WORKERS = NUM_CORES * NUM_SUBCORES

NODES_PER_TILE = 65536
P_SIZE = NODES_PER_TILE * NUM_SUBCORES
VECS = BATCH // LANES
UNROLL = 4
OUT_PER_W = BATCH // NUM_WORKERS
CHUNK = 128
NCHUNKS = OUT_PER_W // CHUNK


def _body(idx_hbm, values_hbm, out_hbm, p_hbm,
          idx_v, p_local, idx_c, w_v, rows_v, wsem, rsem, osem):
    cid = lax.axis_index("c")
    sid = lax.axis_index("s")
    base = sid * NODES_PER_TILE
    lanes = lax.iota(jnp.int32, LANES)
    nbr_perm = jnp.minimum(lanes + 1, LANES - 1)
    last_lane = lanes == LANES - 1

    pltpu.sync_copy(idx_hbm, idx_v)

    def sweep(u, carry):
        vs = [u * UNROLL + k for k in range(UNROLL)]
        keys = []
        for v in vs:
            off = pl.multiple_of(v * LANES, LANES)
            iv = idx_v[pl.ds(off, LANES)]
            keys.append(lax.sort((iv << 4) | lanes))
        for v, key_s in zip(vs, keys):
            idx_s = key_s >> 4
            j_s = (key_s & (LANES - 1)) + v * LANES
            nbr = key_s[nbr_perm] >> 4
            m = (idx_s >= base) & (idx_s < base + NODES_PER_TILE)
            m = m & ((idx_s != nbr) | last_lane)
            loc = jnp.where(m, idx_s - base, 0)
            plsc.store_scatter(p_local, [loc], j_s, mask=m)
        return carry

    lax.fori_loop(0, VECS // UNROLL, sweep, 0)

    pltpu.sync_copy(p_local, p_hbm.at[pl.ds(base, NODES_PER_TILE)])
    plsc.subcore_barrier()

    wid = sid * NUM_CORES + cid
    obase = wid * OUT_PER_W
    starts = [pl.multiple_of(obase + c * CHUNK, CHUNK) for c in range(NCHUNKS)]

    pltpu.sync_copy(idx_hbm.at[pl.ds(starts[0], CHUNK)], idx_c.at[0])
    wd = pltpu.async_copy(p_hbm.at[idx_c.at[0]], w_v.at[0], wsem)
    rd = od = None
    for c in range(NCHUNKS):
        b = c % 2
        if c + 1 < NCHUNKS:
            pltpu.sync_copy(idx_hbm.at[pl.ds(starts[c + 1], CHUNK)],
                            idx_c.at[1 - b])
        wd.wait()
        if rd is not None:
            rd.wait()
            if od is not None:
                od.wait()
            od = pltpu.async_copy(rows_v.at[1 - b],
                                  out_hbm.at[pl.ds(starts[c - 1], CHUNK)],
                                  osem)
        if c + 1 < NCHUNKS:
            wd = pltpu.async_copy(p_hbm.at[idx_c.at[1 - b]],
                                  w_v.at[1 - b], wsem)
        rd = pltpu.async_copy(values_hbm.at[w_v.at[b]], rows_v.at[b], rsem)
    rd.wait()
    if od is not None:
        od.wait()
    pltpu.async_copy(rows_v.at[(NCHUNKS - 1) % 2],
                     out_hbm.at[pl.ds(starts[NCHUNKS - 1], CHUNK)],
                     osem).wait()


@jax.jit
def _scatter_gather(node_idxs, values):
    mesh = plsc.VectorSubcoreMesh(
        core_axis_name="c", subcore_axis_name="s")
    out, _ = pl.kernel(
        _body,
        out_type=(
            jax.ShapeDtypeStruct((BATCH, MEM_DIM), jnp.float32),
            jax.ShapeDtypeStruct((P_SIZE,), jnp.int32),
        ),
        mesh=mesh,
        scratch_types=[
            pltpu.VMEM((BATCH,), jnp.int32),
            pltpu.VMEM((NODES_PER_TILE,), jnp.int32),
            pltpu.VMEM((2, CHUNK), jnp.int32),
            pltpu.VMEM((2, CHUNK), jnp.int32),
            pltpu.VMEM((2, CHUNK, MEM_DIM), jnp.float32),
            pltpu.SemaphoreType.DMA,
            pltpu.SemaphoreType.DMA,
            pltpu.SemaphoreType.DMA,
        ],
        compiler_params=pltpu.CompilerParams(
            needs_layout_passes=False, use_tc_tiling_on_sc=False),
    )(node_idxs, values)
    return out


def kernel(mem, node_idxs, values):
    del mem
    return _scatter_gather(node_idxs, values)

# --- scband reference (transcript-rebuilt; emitter-appended) ---
"""Pipeline reference for scband-memory-23785528885491 (READ-ONLY COPY).

The authoritative reference and input builder live on the scoring server;
editing this copy changes nothing except your own understanding.
"""

import jax, jax.numpy as jnp
import numpy as np

N_NODES = 1000000
MEM_DIM = 64
BATCH = 16384


def setup_inputs(seed: int = 0) -> dict:
    key = jax.random.key(seed)
    k1, k2 = jax.random.split(key)
    # Memory table initialized to zeros, as in Memory.__init_memory__ for type 'node'
    mem = jnp.zeros((N_NODES, MEM_DIM), dtype=jnp.float32)
    node_idxs = jax.random.randint(k1, (BATCH,), 0, N_NODES, dtype=jnp.int32)
    values = jax.random.normal(k2, (BATCH, MEM_DIM), dtype=jnp.float32)
    return {"mem": mem, "node_idxs": node_idxs, "values": values}


def reference(mem, node_idxs, values):
    # Faithful translation of Memory.set_memory followed by Memory.get_memory
    # for the single memory type 'node':
    #   set_memory:  self.memory[type][node_idxs, :] = values   (scatter-overwrite)
    #   get_memory:  return self.memory[type][node_idxs, :]     (gather)
    updated_mem = mem.at[node_idxs].set(values)
    out = updated_mem[node_idxs, :]
    return out

if __name__ == "__main__":
    import jax
    _d = setup_inputs()
    print(jax.jit(kernel)(*tuple(_d.values())))

</pallas_src>

<mosaic_0001>
#map = affine_map<(d0, d1) -> (0)>
#map1 = affine_map<(d0, d1) -> (0, 0)>
module attributes {stable_mosaic.version = 14 : i64} {
  func.func @_body(%arg0: i32, %arg1: i32, %arg2: memref<16384xi32, #tpu.memory_space<hbm>>, %arg3: memref<16384x64xf32, #tpu.memory_space<hbm>>, %arg4: memref<16384x64xf32, #tpu.memory_space<hbm>>, %arg5: memref<1048576xi32, #tpu.memory_space<hbm>>, %arg6: memref<16384xi32, #tpu.memory_space<vmem>>, %arg7: memref<65536xi32, #tpu.memory_space<vmem>>, %arg8: memref<2x128xi32, #tpu.memory_space<vmem>>, %arg9: memref<2x128xi32, #tpu.memory_space<vmem>>, %arg10: memref<2x128x64xf32, #tpu.memory_space<vmem>>, %arg11: memref<!tpu.dma_semaphore, #tpu.memory_space<semaphore_mem>>, %arg12: memref<!tpu.dma_semaphore, #tpu.memory_space<semaphore_mem>>, %arg13: memref<!tpu.dma_semaphore, #tpu.memory_space<semaphore_mem>>) attributes {dimension_semantics = [#tpu.dimension_semantics<core_parallel>, #tpu.dimension_semantics<subcore_parallel>], iteration_bounds = array<i64: 2, 16>, scalar_prefetch = 0 : i64, scratch_operands = 8 : i64, tpu.core_type = #tpu.core_type<sc_vector_subcore>, window_params = [{transform_indices = #map}, {transform_indices = #map1}, {transform_indices = #map1}, {transform_indices = #map}]} {
    %mul3A = arith.constant 65536 : i32
    %mul3A_0 = arith.muli %arg1, %mul3A : i32
    %iota3A = tpu.iota {dimensions = array<i32: 0>} : vector<16xi32>
    %add3A = arith.constant 1 : i32
    %add3A_1 = vector.broadcast %add3A : i32 to vector<16xi32>
    %add3A_2 = arith.addi %iota3A, %add3A_1 : vector<16xi32>
    %min3A = arith.constant 15 : i32
    %min3A_3 = vector.broadcast %min3A : i32 to vector<16xi32>
    %min3A_4 = arith.minsi %add3A_2, %min3A_3 : vector<16xi32>
    %eq3A = arith.constant 15 : i32
    %eq3A_5 = vector.broadcast %eq3A : i32 to vector<16xi32>
    %eq3A_6 = arith.cmpi eq, %iota3A, %eq3A_5 : vector<16xi32>
    "tpu.region"() ({
      %run_scoped3A_309 = tpu.sem_alloc : memref<!tpu.dma_semaphore, #tpu.memory_space<semaphore_mem>>
      tpu.enqueue_dma source(%arg2 : memref<16384xi32, #tpu.memory_space<hbm>>) target(%arg6 : memref<16384xi32, #tpu.memory_space<vmem>>) target_semaphore(%run_scoped3A_309 : memref<!tpu.dma_semaphore, #tpu.memory_space<semaphore_mem>>)
      tpu.wait_dma2 semaphore(%run_scoped3A_309 : memref<!tpu.dma_semaphore, #tpu.memory_space<semaphore_mem>>) src(%arg2 : memref<16384xi32, #tpu.memory_space<hbm>>) dst(%arg6 : memref<16384xi32, #tpu.memory_space<vmem>>)
      tpu.yield
    }) : () -> ()
    %scan3A = arith.constant 0 : i32
    %scan3A_7 = arith.constant 0 : i32
    %scan3A_8 = arith.constant 256 : i32
    %scan3A_9 = arith.addi %scan3A_7, %scan3A_8 : i32
    %scan3A_10 = arith.constant 1 : i32
    scf.for %scan3A_309 = %scan3A_7 to %scan3A_9 step %scan3A_10  : i32 {
      %mul3A_310 = arith.constant 4 : i32
      %mul3A_311 = arith.muli %scan3A_309, %mul3A_310 : i32
      %add3A_312 = arith.constant 0 : i32
      %add3A_313 = arith.addi %mul3A_311, %add3A_312 : i32
      %mul3A_314 = arith.constant 4 : i32
      %mul3A_315 = arith.muli %scan3A_309, %mul3A_314 : i32
      %add3A_316 = arith.constant 1 : i32
      %add3A_317 = arith.addi %mul3A_315, %add3A_316 : i32
      %mul3A_318 = arith.constant 4 : i32
      %mul3A_319 = arith.muli %scan3A_309, %mul3A_318 : i32
      %add3A_320 = arith.constant 2 : i32
      %add3A_321 = arith.addi %mul3A_319, %add3A_320 : i32
      %mul3A_322 = arith.constant 4 : i32
      %mul3A_323 = arith.muli %scan3A_309, %mul3A_322 : i32
      %add3A_324 = arith.constant 3 : i32
      %add3A_325 = arith.addi %mul3A_323, %add3A_324 : i32
      %mul3A_326 = arith.constant 16 : i32
      %mul3A_327 = arith.muli %add3A_313, %mul3A_326 : i32
      %multiple_of3A_328 = tpu.assume_multiple %mul3A_327, 16 : i32
      %get3A = arith.index_cast %multiple_of3A_328 : i32 to index
      %get3A_329 = tpu.vector_load %arg6[%get3A] {strides = array<i32>} : memref<16384xi32, #tpu.memory_space<vmem>>, vector<16xi32>,
      %shift_left3A = arith.constant 4 : i32
      %shift_left3A_330 = vector.broadcast %shift_left3A : i32 to vector<16xi32>
      %shift_left3A_331 = arith.shli %get3A_329, %shift_left3A_330 : vector<16xi32>
      %or3A = arith.ori %shift_left3A_331, %iota3A : vector<16xi32>
      %sort3A = arith.constant dense<true> : vector<16xi1>
      %sort3A_332, %sort3A_333, %sort3A_334 = tpu.sort %or3A, %or3A masked %sort3A : (vector<16xi32>, vector<16xi32>, vector<16xi1>) -> (vector<16xi1>, vector<16xi32>, vector<16xi32>)
      %mul3A_335 = arith.constant 16 : i32
      %mul3A_336 = arith.muli %add3A_317, %mul3A_335 : i32
      %multiple_of3A_337 = tpu.assume_multiple %mul3A_336, 16 : i32
      %get3A_338 = arith.index_cast %multiple_of3A_337 : i32 to index
      %get3A_339 = tpu.vector_load %arg6[%get3A_338] {strides = array<i32>} : memref<16384xi32, #tpu.memory_space<vmem>>, vector<16xi32>,
      %shift_left3A_340 = arith.constant 4 : i32
      %shift_left3A_341 = vector.broadcast %shift_left3A_340 : i32 to vector<16xi32>
      %shift_left3A_342 = arith.shli %get3A_339, %shift_left3A_341 : vector<16xi32>
      %or3A_343 = arith.ori %shift_left3A_342, %iota3A : vector<16xi32>
      %sort3A_344 = arith.constant dense<true> : vector<16xi1>
      %sort3A_345, %sort3A_346, %sort3A_347 = tpu.sort %or3A_343, %or3A_343 masked %sort3A_344 : (vector<16xi32>, vector<16xi32>, vector<16xi1>) -> (vector<16xi1>, vector<16xi32>, vector<16xi32>)
      %mul3A_348 = arith.constant 16 : i32
      %mul3A_349 = arith.muli %add3A_321, %mul3A_348 : i32
      %multiple_of3A_350 = tpu.assume_multiple %mul3A_349, 16 : i32
      %get3A_351 = arith.index_cast %multiple_of3A_350 : i32 to index
      %get3A_352 = tpu.vector_load %arg6[%get3A_351] {strides = array<i32>} : memref<16384xi32, #tpu.memory_space<vmem>>, vector<16xi32>,
      %shift_left3A_353 = arith.constant 4 : i32
      %shift_left3A_354 = vector.broadcast %shift_left3A_353 : i32 to vector<16xi32>
      %shift_left3A_355 = arith.shli %get3A_352, %shift_left3A_354 : vector<16xi32>
      %or3A_356 = arith.ori %shift_left3A_355, %iota3A : vector<16xi32>
      %sort3A_357 = arith.constant dense<true> : vector<16xi1>
      %sort3A_358, %sort3A_359, %sort3A_360 = tpu.sort %or3A_356, %or3A_356 masked %sort3A_357 : (vector<16xi32>, vector<16xi32>, vector<16xi1>) -> (vector<16xi1>, vector<16xi32>, vector<16xi32>)
      %mul3A_361 = arith.constant 16 : i32
      %mul3A_362 = arith.muli %add3A_325, %mul3A_361 : i32
      %multiple_of3A_363 = tpu.assume_multiple %mul3A_362, 16 : i32
      %get3A_364 = arith.index_cast %multiple_of3A_363 : i32 to index
      %get3A_365 = tpu.vector_load %arg6[%get3A_364] {strides = array<i32>} : memref<16384xi32, #tpu.memory_space<vmem>>, vector<16xi32>,
      %shift_left3A_366 = arith.constant 4 : i32
      %shift_left3A_367 = vector.broadcast %shift_left3A_366 : i32 to vector<16xi32>
      %shift_left3A_368 = arith.shli %get3A_365, %shift_left3A_367 : vector<16xi32>
      %or3A_369 = arith.ori %shift_left3A_368, %iota3A : vector<16xi32>
      %sort3A_370 = arith.constant dense<true> : vector<16xi1>
      %sort3A_371, %sort3A_372, %sort3A_373 = tpu.sort %or3A_369, %or3A_369 masked %sort3A_370 : (vector<16xi32>, vector<16xi32>, vector<16xi1>) -> (vector<16xi1>, vector<16xi32>, vector<16xi32>)
      %shift_right_arithmetic3A = arith.constant 4 : i32
      %shift_right_arithmetic3A_374 = vector.broadcast %shift_right_arithmetic3A : i32 to vector<16xi32>
      %shift_right_arithmetic3A_375 = arith.shrsi %sort3A_333, %shift_right_arithmetic3A_374 : vector<16xi32>
      %and3A = arith.constant 15 : i32
      %and3A_376 = vector.broadcast %and3A : i32 to vector<16xi32>
      %and3A_377 = arith.andi %sort3A_333, %and3A_376 : vector<16xi32>
      %mul3A_378 = arith.constant 16 : i32
      %mul3A_379 = arith.muli %add3A_313, %mul3A_378 : i32
      %add3A_380 = vector.broadcast %mul3A_379 : i32 to vector<16xi32>
      %add3A_381 = arith.addi %and3A_377, %add3A_380 : vector<16xi32>
      %lt3A = arith.constant 0 : i32
      %lt3A_382 = vector.broadcast %lt3A : i32 to vector<16xi32>
      %lt3A_383 = arith.cmpi slt, %min3A_4, %lt3A_382 : vector<16xi32>
      %add3A_384 = arith.constant 16 : i32
      %add3A_385 = vector.broadcast %add3A_384 : i32 to vector<16xi32>
      %add3A_386 = arith.addi %min3A_4, %add3A_385 : vector<16xi32>
      %select_n3A = arith.select %lt3A_383, %add3A_386, %min3A_4 : vector<16xi1>, vector<16xi32>
      %broadcast_in_dim3A = vector.shape_cast %select_n3A : vector<16xi32> to vector<16x1xi32>
      %gather3A = vector.shape_cast %broadcast_in_dim3A : vector<16x1xi32> to vector<16xi32>
      %gather3A_387 = tpu.dynamic_gather %sort3A_333[%gather3A] in [0] : vector<16xi32>, vector<16xi32> -> vector<16xi32>
      %shift_right_arithmetic3A_388 = arith.constant 4 : i32
      %shift_right_arithmetic3A_389 = vector.broadcast %shift_right_arithmetic3A_388 : i32 to vector<16xi32>
      %shift_right_arithmetic3A_390 = arith.shrsi %gather3A_387, %shift_right_arithmetic3A_389 : vector<16xi32>
      %ge3A = vector.broadcast %mul3A_0 : i32 to vector<16xi32>
      %ge3A_391 = arith.cmpi sge, %shift_right_arithmetic3A_375, %ge3A : vector<16xi32>
      %add3A_392 = arith.constant 65536 : i32
      %add3A_393 = arith.addi %mul3A_0, %add3A_392 : i32
      %lt3A_394 = vector.broadcast %add3A_393 : i32 to vector<16xi32>
      %lt3A_395 = arith.cmpi slt, %shift_right_arithmetic3A_375, %lt3A_394 : vector<16xi32>
      %and3A_396 = arith.andi %ge3A_391, %lt3A_395 : vector<16xi1>
      %ne3A = arith.cmpi ne, %shift_right_arithmetic3A_375, %shift_right_arithmetic3A_390 : vector<16xi32>
      %or3A_397 = arith.ori %ne3A, %eq3A_6 : vector<16xi1>
      %and3A_398 = arith.andi %and3A_396, %or3A_397 : vector<16xi1>
      %sub3A = vector.broadcast %mul3A_0 : i32 to vector<16xi32>
      %sub3A_399 = arith.subi %shift_right_arithmetic3A_375, %sub3A : vector<16xi32>
      %jit3A = arith.constant 0 : i32
      %broadcast_in_dim3A_400 = vector.broadcast %jit3A : i32 to vector<16xi32>
      %select_n3A_401 = arith.select %and3A_398, %sub3A_399, %broadcast_in_dim3A_400 : vector<16xi1>, vector<16xi32>
      tpu.vector_store_idx %arg7[%select_n3A_401], %add3A_381 masked %and3A_398 : memref<65536xi32, #tpu.memory_space<vmem>>[vector<16xi32>], vector<16xi32>, vector<16xi1>
      %shift_right_arithmetic3A_402 = arith.constant 4 : i32
      %shift_right_arithmetic3A_403 = vector.broadcast %shift_right_arithmetic3A_402 : i32 to vector<16xi32>
      %shift_right_arithmetic3A_404 = arith.shrsi %sort3A_346, %shift_right_arithmetic3A_403 : vector<16xi32>
      %and3A_405 = arith.constant 15 : i32
      %and3A_406 = vector.broadcast %and3A_405 : i32 to vector<16xi32>
      %and3A_407 = arith.andi %sort3A_346, %and3A_406 : vector<16xi32>
      %mul3A_408 = arith.constant 16 : i32
      %mul3A_409 = arith.muli %add3A_317, %mul3A_408 : i32
      %add3A_410 = vector.broadcast %mul3A_409 : i32 to vector<16xi32>
      %add3A_411 = arith.addi %and3A_407, %add3A_410 : vector<16xi32>
      %lt3A_412 = arith.constant 0 : i32
      %lt3A_413 = vector.broadcast %lt3A_412 : i32 to vector<16xi32>
      %lt3A_414 = arith.cmpi slt, %min3A_4, %lt3A_413 : vector<16xi32>
      %add3A_415 = arith.constant 16 : i32
      %add3A_416 = vector.broadcast %add3A_415 : i32 to vector<16xi32>
      %add3A_417 = arith.addi %min3A_4, %add3A_416 : vector<16xi32>
      %select_n3A_418 = arith.select %lt3A_414, %add3A_417, %min3A_4 : vector<16xi1>, vector<16xi32>
      %broadcast_in_dim3A_419 = vector.shape_cast %select_n3A_418 : vector<16xi32> to vector<16x1xi32>
      %gather3A_420 = vector.shape_cast %broadcast_in_dim3A_419 : vector<16x1xi32> to vector<16xi32>
      %gather3A_421 = tpu.dynamic_gather %sort3A_346[%gather3A_420] in [0] : vector<16xi32>, vector<16xi32> -> vector<16xi32>
      %shift_right_arithmetic3A_422 = arith.constant 4 : i32
      %shift_right_arithmetic3A_423 = vector.broadcast %shift_right_arithmetic3A_422 : i32 to vector<16xi32>
      %shift_right_arithmetic3A_424 = arith.shrsi %gather3A_421, %shift_right_arithmetic3A_423 : vector<16xi32>
      %ge3A_425 = vector.broadcast %mul3A_0 : i32 to vector<16xi32>
      %ge3A_426 = arith.cmpi sge, %shift_right_arithmetic3A_404, %ge3A_425 : vector<16xi32>
      %add3A_427 = arith.constant 65536 : i32
      %add3A_428 = arith.addi %mul3A_0, %add3A_427 : i32
      %lt3A_429 = vector.broadcast %add3A_428 : i32 to vector<16xi32>
      %lt3A_430 = arith.cmpi slt, %shift_right_arithmetic3A_404, %lt3A_429 : vector<16xi32>
      %and3A_431 = arith.andi %ge3A_426, %lt3A_430 : vector<16xi1>
      %ne3A_432 = arith.cmpi ne, %shift_right_arithmetic3A_404, %shift_right_arithmetic3A_424 : vector<16xi32>
      %or3A_433 = arith.ori %ne3A_432, %eq3A_6 : vector<16xi1>
      %and3A_434 = arith.andi %and3A_431, %or3A_433 : vector<16xi1>
      %sub3A_435 = vector.broadcast %mul3A_0 : i32 to vector<16xi32>
      %sub3A_436 = arith.subi %shift_right_arithmetic3A_404, %sub3A_435 : vector<16xi32>
      %jit3A_437 = arith.constant 0 : i32
      %broadcast_in_dim3A_438 = vector.broadcast %jit3A_437 : i32 to vector<16xi32>
      %select_n3A_439 = arith.select %and3A_434, %sub3A_436, %broadcast_in_dim3A_438 : vector<16xi1>, vector<16xi32>
      tpu.vector_store_idx %arg7[%select_n3A_439], %add3A_411 masked %and3A_434 : memref<65536xi32, #tpu.memory_space<vmem>>[vector<16xi32>], vector<16xi32>, vector<16xi1>
      %shift_right_arithmetic3A_440 = arith.constant 4 : i32
      %shift_right_arithmetic3A_441 = vector.broadcast %shift_right_arithmetic3A_440 : i32 to vector<16xi32>
      %shift_right_arithmetic3A_442 = arith.shrsi %sort3A_359, %shift_right_arithmetic3A_441 : vector<16xi32>
      %and3A_443 = arith.constant 15 : i32
      %and3A_444 = vector.broadcast %and3A_443 : i32 to vector<16xi32>
      %and3A_445 = arith.andi %sort3A_359, %and3A_444 : vector<16xi32>
      %mul3A_446 = arith.constant 16 : i32
      %mul3A_447 = arith.muli %add3A_321, %mul3A_446 : i32
      %add3A_448 = vector.broadcast %mul3A_447 : i32 to vector<16xi32>
      %add3A_449 = arith.addi %and3A_445, %add3A_448 : vector<16xi32>
      %lt3A_450 = arith.constant 0 : i32
      %lt3A_451 = vector.broadcast %lt3A_450 : i32 to vector<16xi32>
      %lt3A_452 = arith.cmpi slt, %min3A_4, %lt3A_451 : vector<16xi32>
      %add3A_453 = arith.constant 16 : i32
      %add3A_454 = vector.broadcast %add3A_453 : i32 to vector<16xi32>
      %add3A_455 = arith.addi %min3A_4, %add3A_454 : vector<16xi32>
      %select_n3A_456 = arith.select %lt3A_452, %add3A_455, %min3A_4 : vector<16xi1>, vector<16xi32>
      %broadcast_in_dim3A_457 = vector.shape_cast %select_n3A_456 : vector<16xi32> to vector<16x1xi32>
      %gather3A_458 = vector.shape_cast %broadcast_in_dim3A_457 : vector<16x1xi32> to vector<16xi32>
      %gather3A_459 = tpu.dynamic_gather %sort3A_359[%gather3A_458] in [0] : vector<16xi32>, vector<16xi32> -> vector<16xi32>
      %shift_right_arithmetic3A_460 = arith.constant 4 : i32
      %shift_right_arithmetic3A_461 = vector.broadcast %shift_right_arithmetic3A_460 : i32 to vector<16xi32>
      %shift_right_arithmetic3A_462 = arith.shrsi %gather3A_459, %shift_right_arithmetic3A_461 : vector<16xi32>
      %ge3A_463 = vector.broadcast %mul3A_0 : i32 to vector<16xi32>
      %ge3A_464 = arith.cmpi sge, %shift_right_arithmetic3A_442, %ge3A_463 : vector<16xi32>
      %add3A_465 = arith.constant 65536 : i32
      %add3A_466 = arith.addi %mul3A_0, %add3A_465 : i32
      %lt3A_467 = vector.broadcast %add3A_466 : i32 to vector<16xi32>
      %lt3A_468 = arith.cmpi slt, %shift_right_arithmetic3A_442, %lt3A_467 : vector<16xi32>
      %and3A_469 = arith.andi %ge3A_464, %lt3A_468 : vector<16xi1>
      %ne3A_470 = arith.cmpi ne, %shift_right_arithmetic3A_442, %shift_right_arithmetic3A_462 : vector<16xi32>
      %or3A_471 = arith.ori %ne3A_470, %eq3A_6 : vector<16xi1>
      %and3A_472 = arith.andi %and3A_469, %or3A_471 : vector<16xi1>
      %sub3A_473 = vector.broadcast %mul3A_0 : i32 to vector<16xi32>
      %sub3A_474 = arith.subi %shift_right_arithmetic3A_442, %sub3A_473 : vector<16xi32>
      %jit3A_475 = arith.constant 0 : i32
      %broadcast_in_dim3A_476 = vector.broadcast %jit3A_475 : i32 to vector<16xi32>
      %select_n3A_477 = arith.select %and3A_472, %sub3A_474, %broadcast_in_dim3A_476 : vector<16xi1>, vector<16xi32>
      tpu.vector_store_idx %arg7[%select_n3A_477], %add3A_449 masked %and3A_472 : memref<65536xi32, #tpu.memory_space<vmem>>[vector<16xi32>], vector<16xi32>, vector<16xi1>
      %shift_right_arithmetic3A_478 = arith.constant 4 : i32
      %shift_right_arithmetic3A_479 = vector.broadcast %shift_right_arithmetic3A_478 : i32 to vector<16xi32>
      %shift_right_arithmetic3A_480 = arith.shrsi %sort3A_372, %shift_right_arithmetic3A_479 : vector<16xi32>
      %and3A_481 = arith.constant 15 : i32
      %and3A_482 = vector.broadcast %and3A_481 : i32 to vector<16xi32>
      %and3A_483 = arith.andi %sort3A_372, %and3A_482 : vector<16xi32>
      %mul3A_484 = arith.constant 16 : i32
      %mul3A_485 = arith.muli %add3A_325, %mul3A_484 : i32
      %add3A_486 = vector.broadcast %mul3A_485 : i32 to vector<16xi32>
      %add3A_487 = arith.addi %and3A_483, %add3A_486 : vector<16xi32>
      %lt3A_488 = arith.constant 0 : i32
      %lt3A_489 = vector.broadcast %lt3A_488 : i32 to vector<16xi32>
      %lt3A_490 = arith.cmpi slt, %min3A_4, %lt3A_489 : vector<16xi32>
      %add3A_491 = arith.constant 16 : i32
      %add3A_492 = vector.broadcast %add3A_491 : i32 to vector<16xi32>
      %add3A_493 = arith.addi %min3A_4, %add3A_492 : vector<16xi32>
      %select_n3A_494 = arith.select %lt3A_490, %add3A_493, %min3A_4 : vector<16xi1>, vector<16xi32>
      %broadcast_in_dim3A_495 = vector.shape_cast %select_n3A_494 : vector<16xi32> to vector<16x1xi32>
      %gather3A_496 = vector.shape_cast %broadcast_in_dim3A_495 : vector<16x1xi32> to vector<16xi32>
      %gather3A_497 = tpu.dynamic_gather %sort3A_372[%gather3A_496] in [0] : vector<16xi32>, vector<16xi32> -> vector<16xi32>
      %shift_right_arithmetic3A_498 = arith.constant 4 : i32
      %shift_right_arithmetic3A_499 = vector.broadcast %shift_right_arithmetic3A_498 : i32 to vector<16xi32>
      %shift_right_arithmetic3A_500 = arith.shrsi %gather3A_497, %shift_right_arithmetic3A_499 : vector<16xi32>
      %ge3A_501 = vector.broadcast %mul3A_0 : i32 to vector<16xi32>
      %ge3A_502 = arith.cmpi sge, %shift_right_arithmetic3A_480, %ge3A_501 : vector<16xi32>
      %add3A_503 = arith.constant 65536 : i32
      %add3A_504 = arith.addi %mul3A_0, %add3A_503 : i32
      %lt3A_505 = vector.broadcast %add3A_504 : i32 to vector<16xi32>
      %lt3A_506 = arith.cmpi slt, %shift_right_arithmetic3A_480, %lt3A_505 : vector<16xi32>
      %and3A_507 = arith.andi %ge3A_502, %lt3A_506 : vector<16xi1>
      %ne3A_508 = arith.cmpi ne, %shift_right_arithmetic3A_480, %shift_right_arithmetic3A_500 : vector<16xi32>
      %or3A_509 = arith.ori %ne3A_508, %eq3A_6 : vector<16xi1>
      %and3A_510 = arith.andi %and3A_507, %or3A_509 : vector<16xi1>
      %sub3A_511 = vector.broadcast %mul3A_0 : i32 to vector<16xi32>
      %sub3A_512 = arith.subi %shift_right_arithmetic3A_480, %sub3A_511 : vector<16xi32>
      %jit3A_513 = arith.constant 0 : i32
      %broadcast_in_dim3A_514 = vector.broadcast %jit3A_513 : i32 to vector<16xi32>
      %select_n3A_515 = arith.select %and3A_510, %sub3A_512, %broadcast_in_dim3A_514 : vector<16xi1>, vector<16xi32>
      tpu.vector_store_idx %arg7[%select_n3A_515], %add3A_487 masked %and3A_510 : memref<65536xi32, #tpu.memory_space<vmem>>[vector<16xi32>], vector<16xi32>, vector<16xi1>
    }
    %scan3A_11 = arith.constant 256 : i32
    "tpu.region"() ({
      %run_scoped3A_309 = tpu.sem_alloc : memref<!tpu.dma_semaphore, #tpu.memory_space<semaphore_mem>>
      %dma_start3A_310 = tpu.memref_slice %arg5[%mul3A_0] : memref<1048576xi32, #tpu.memory_space<hbm>> -> memref<65536xi32, #tpu.memory_space<hbm>>
      %dma_start3A_311 = tpu.memref_slice %arg5[%mul3A_0] : memref<1048576xi32, #tpu.memory_space<hbm>> -> memref<65536xi32, #tpu.memory_space<hbm>>
      tpu.enqueue_dma source(%arg7 : memref<65536xi32, #tpu.memory_space<vmem>>) target(%dma_start3A_311 : memref<65536xi32, #tpu.memory_space<hbm>>) target_semaphore(%run_scoped3A_309 : memref<!tpu.dma_semaphore, #tpu.memory_space<semaphore_mem>>)
      %dma_wait3A_312 = tpu.memref_slice %arg5[%mul3A_0] : memref<1048576xi32, #tpu.memory_space<hbm>> -> memref<65536xi32, #tpu.memory_space<hbm>>
      %dma_wait3A_313 = tpu.memref_slice %arg5[%mul3A_0] : memref<1048576xi32, #tpu.memory_space<hbm>> -> memref<65536xi32, #tpu.memory_space<hbm>>
      tpu.wait_dma2 semaphore(%run_scoped3A_309 : memref<!tpu.dma_semaphore, #tpu.memory_space<semaphore_mem>>) src(%arg7 : memref<65536xi32, #tpu.memory_space<vmem>>) dst(%dma_wait3A_313 : memref<65536xi32, #tpu.memory_space<hbm>>)
      tpu.yield
    }) : () -> ()
    %barrier3A = arith.constant 0 : index
    tpu.barrier barrier_id(%barrier3A)
    %mul3A_12 = arith.constant 2 : i32
    %mul3A_13 = arith.muli %arg1, %mul3A_12 : i32
    %add3A_14 = arith.addi %mul3A_13, %arg0 : i32
    %mul3A_15 = arith.constant 512 : i32
    %mul3A_16 = arith.muli %add3A_14, %mul3A_15 : i32
    %add3A_17 = arith.constant 0 : i32
    %add3A_18 = arith.addi %mul3A_16, %add3A_17 : i32
    %multiple_of3A = tpu.assume_multiple %add3A_18, 128 : i32
    %add3A_19 = arith.constant 128 : i32
    %add3A_20 = arith.addi %mul3A_16, %add3A_19 : i32
    %multiple_of3A_21 = tpu.assume_multiple %add3A_20, 128 : i32
    %add3A_22 = arith.constant 256 : i32
    %add3A_23 = arith.addi %mul3A_16, %add3A_22 : i32
    %multiple_of3A_24 = tpu.assume_multiple %add3A_23, 128 : i32
    %add3A_25 = arith.constant 384 : i32
    %add3A_26 = arith.addi %mul3A_16, %add3A_25 : i32
    %multiple_of3A_27 = tpu.assume_multiple %add3A_26, 128 : i32
    %run_scoped3A = arith.constant 0 : i32
    "tpu.region"() ({
      %run_scoped3A_309 = tpu.sem_alloc : memref<!tpu.dma_semaphore, #tpu.memory_space<semaphore_mem>>
      %dma_start3A_310 = arith.constant 0 : i32
      %dma_start3A_311 = tpu.memref_slice %arg8[%run_scoped3A, %dma_start3A_310] : memref<2x128xi32, #tpu.memory_space<vmem>> -> memref<1x128xi32, #tpu.memory_space<vmem>>
      %dma_start3A_312 = tpu.memref_squeeze %dma_start3A_311 : memref<1x128xi32, #tpu.memory_space<vmem>> -> memref<128xi32, #tpu.memory_space<vmem>>
      %dma_start3A_313 = tpu.memref_slice %arg2[%multiple_of3A] : memref<16384xi32, #tpu.memory_space<hbm>> -> memref<128xi32, #tpu.memory_space<hbm>>
      %dma_start3A_314 = arith.constant 0 : i32
      %dma_start3A_315 = tpu.memref_slice %arg8[%run_scoped3A, %dma_start3A_314] : memref<2x128xi32, #tpu.memory_space<vmem>> -> memref<1x128xi32, #tpu.memory_space<vmem>>
      %dma_start3A_316 = tpu.memref_squeeze %dma_start3A_315 : memref<1x128xi32, #tpu.memory_space<vmem>> -> memref<128xi32, #tpu.memory_space<vmem>>
      %dma_start3A_317 = tpu.memref_slice %arg2[%multiple_of3A] : memref<16384xi32, #tpu.memory_space<hbm>> -> memref<128xi32, #tpu.memory_space<hbm>>
      tpu.enqueue_dma source(%dma_start3A_317 : memref<128xi32, #tpu.memory_space<hbm>>) target(%dma_start3A_316 : memref<128xi32, #tpu.memory_space<vmem>>) target_semaphore(%run_scoped3A_309 : memref<!tpu.dma_semaphore, #tpu.memory_space<semaphore_mem>>)
      %dma_wait3A_318 = arith.constant 0 : i32
      %dma_wait3A_319 = tpu.memref_slice %arg8[%run_scoped3A, %dma_wait3A_318] : memref<2x128xi32, #tpu.memory_space<vmem>> -> memref<1x128xi32, #tpu.memory_space<vmem>>
      %dma_wait3A_320 = tpu.memref_squeeze %dma_wait3A_319 : memref<1x128xi32, #tpu.memory_space<vmem>> -> memref<128xi32, #tpu.memory_space<vmem>>
      %dma_wait3A_321 = tpu.memref_slice %arg2[%multiple_of3A] : memref<16384xi32, #tpu.memory_space<hbm>> -> memref<128xi32, #tpu.memory_space<hbm>>
      %dma_wait3A_322 = arith.constant 0 : i32
      %dma_wait3A_323 = tpu.memref_slice %arg8[%run_scoped3A, %dma_wait3A_322] : memref<2x128xi32, #tpu.memory_space<vmem>> -> memref<1x128xi32, #tpu.memory_space<vmem>>
      %dma_wait3A_324 = tpu.memref_squeeze %dma_wait3A_323 : memref<1x128xi32, #tpu.memory_space<vmem>> -> memref<128xi32, #tpu.memory_space<vmem>>
      %dma_wait3A_325 = tpu.memref_slice %arg2[%multiple_of3A] : memref<16384xi32, #tpu.memory_space<hbm>> -> memref<128xi32, #tpu.memory_space<hbm>>
      tpu.wait_dma2 semaphore(%run_scoped3A_309 : memref<!tpu.dma_semaphore, #tpu.memory_space<semaphore_mem>>) src(%dma_wait3A_325 : memref<128xi32, #tpu.memory_space<hbm>>) dst(%dma_wait3A_324 : memref<128xi32, #tpu.memory_space<vmem>>)
      tpu.yield
    }) : () -> ()
    %dma_start3A = arith.constant 0 : i32
    %dma_start3A_28 = arith.constant 0 : i32
    %dma_start3A_29 = arith.constant 0 : i32
    %dma_start3A_30 = tpu.memref_slice %arg9[%dma_start3A_28, %dma_start3A_29] : memref<2x128xi32, #tpu.memory_space<vmem>> -> memref<1x128xi32, #tpu.memory_space<vmem>>
    %dma_start3A_31 = tpu.memref_squeeze %dma_start3A_30 : memref<1x128xi32, #tpu.memory_space<vmem>> -> memref<128xi32, #tpu.memory_space<vmem>>
    %dma_start3A_32 = arith.constant 0 : i32
    %dma_start3A_33 = tpu.memref_slice %arg8[%dma_start3A, %dma_start3A_32] : memref<2x128xi32, #tpu.memory_space<vmem>> -> memref<1x128xi32, #tpu.memory_space<vmem>>
    %dma_start3A_34 = tpu.memref_squeeze %dma_start3A_33 : memref<1x128xi32, #tpu.memory_space<vmem>> -> memref<128xi32, #tpu.memory_space<vmem>>
    %dma_start3A_35 = arith.constant 0 : i32
    %dma_start3A_36 = tpu.memref_slice %arg5[%dma_start3A_35] : memref<1048576xi32, #tpu.memory_space<hbm>> -> memref<1048576xi32, #tpu.memory_space<hbm>>
    tpu.enqueue_indirect_dma source(%dma_start3A_36 : memref<1048576xi32, #tpu.memory_space<hbm>>) target(%dma_start3A_31 : memref<128xi32, #tpu.memory_space<vmem>>) offsets(%dma_start3A_34 : memref<128xi32, #tpu.memory_space<vmem>>) semaphore(%arg11 : memref<!tpu.dma_semaphore, #tpu.memory_space<semaphore_mem>>)
    %run_scoped3A_37 = arith.constant 1 : i32
    "tpu.region"() ({
      %run_scoped3A_309 = tpu.sem_alloc : memref<!tpu.dma_semaphore, #tpu.memory_space<semaphore_mem>>
      %dma_start3A_310 = arith.constant 0 : i32
      %dma_start3A_311 = tpu.memref_slice %arg8[%run_scoped3A_37, %dma_start3A_310] : memref<2x128xi32, #tpu.memory_space<vmem>> -> memref<1x128xi32, #tpu.memory_space<vmem>>
      %dma_start3A_312 = tpu.memref_squeeze %dma_start3A_311 : memref<1x128xi32, #tpu.memory_space<vmem>> -> memref<128xi32, #tpu.memory_space<vmem>>
      %dma_start3A_313 = tpu.memref_slice %arg2[%multiple_of3A_21] : memref<16384xi32, #tpu.memory_space<hbm>> -> memref<128xi32, #tpu.memory_space<hbm>>
      %dma_start3A_314 = arith.constant 0 : i32
      %dma_start3A_315 = tpu.memref_slice %arg8[%run_scoped3A_37, %dma_start3A_314] : memref<2x128xi32, #tpu.memory_space<vmem>> -> memref<1x128xi32, #tpu.memory_space<vmem>>
      %dma_start3A_316 = tpu.memref_squeeze %dma_start3A_315 : memref<1x128xi32, #tpu.memory_space<vmem>> -> memref<128xi32, #tpu.memory_space<vmem>>
      %dma_start3A_317 = tpu.memref_slice %arg2[%multiple_of3A_21] : memref<16384xi32, #tpu.memory_space<hbm>> -> memref<128xi32, #tpu.memory_space<hbm>>
      tpu.enqueue_dma source(%dma_start3A_317 : memref<128xi32, #tpu.memory_space<hbm>>) target(%dma_start3A_316 : memref<128xi32, #tpu.memory_space<vmem>>) target_semaphore(%run_scoped3A_309 : memref<!tpu.dma_semaphore, #tpu.memory_space<semaphore_mem>>)
      %dma_wait3A_318 = arith.constant 0 : i32
      %dma_wait3A_319 = tpu.memref_slice %arg8[%run_scoped3A_37, %dma_wait3A_318] : memref<2x128xi32, #tpu.memory_space<vmem>> -> memref<1x128xi32, #tpu.memory_space<vmem>>
      %dma_wait3A_320 = tpu.memref_squeeze %dma_wait3A_319 : memref<1x128xi32, #tpu.memory_space<vmem>> -> memref<128xi32, #tpu.memory_space<vmem>>
      %dma_wait3A_321 = tpu.memref_slice %arg2[%multiple_of3A_21] : memref<16384xi32, #tpu.memory_space<hbm>> -> memref<128xi32, #tpu.memory_space<hbm>>
      %dma_wait3A_322 = arith.constant 0 : i32
      %dma_wait3A_323 = tpu.memref_slice %arg8[%run_scoped3A_37, %dma_wait3A_322] : memref<2x128xi32, #tpu.memory_space<vmem>> -> memref<1x128xi32, #tpu.memory_space<vmem>>
      %dma_wait3A_324 = tpu.memref_squeeze %dma_wait3A_323 : memref<1x128xi32, #tpu.memory_space<vmem>> -> memref<128xi32, #tpu.memory_space<vmem>>
      %dma_wait3A_325 = tpu.memref_slice %arg2[%multiple_of3A_21] : memref<16384xi32, #tpu.memory_space<hbm>> -> memref<128xi32, #tpu.memory_space<hbm>>
      tpu.wait_dma2 semaphore(%run_scoped3A_309 : memref<!tpu.dma_semaphore, #tpu.memory_space<semaphore_mem>>) src(%dma_wait3A_325 : memref<128xi32, #tpu.memory_space<hbm>>) dst(%dma_wait3A_324 : memref<128xi32, #tpu.memory_space<vmem>>)
      tpu.yield
    }) : () -> ()
    %dma_wait3A = arith.constant 0 : i32
    %dma_wait3A_38 = arith.constant 0 : i32
    %dma_wait3A_39 = arith.constant 0 : i32
    %dma_wait3A_40 = tpu.memref_slice %arg9[%dma_wait3A_38, %dma_wait3A_39] : memref<2x128xi32, #tpu.memory_space<vmem>> -> memref<1x128xi32, #tpu.memory_space<vmem>>
    %dma_wait3A_41 = tpu.memref_squeeze %dma_wait3A_40 : memref<1x128xi32, #tpu.memory_space<vmem>> -> memref<128xi32, #tpu.memory_space<vmem>>
    %dma_wait3A_42 = arith.constant 0 : i32
    %dma_wait3A_43 = tpu.memref_slice %arg8[%dma_wait3A, %dma_wait3A_42] : memref<2x128xi32, #tpu.memory_space<vmem>> -> memref<1x128xi32, #tpu.memory_space<vmem>>
    %dma_wait3A_44 = tpu.memref_squeeze %dma_wait3A_43 : memref<1x128xi32, #tpu.memory_space<vmem>> -> memref<128xi32, #tpu.memory_space<vmem>>
    %dma_wait3A_45 = arith.constant 0 : i32
    %dma_wait3A_46 = tpu.memref_slice %arg5[%dma_wait3A_45] : memref<1048576xi32, #tpu.memory_space<hbm>> -> memref<1048576xi32, #tpu.memory_space<hbm>>
    tpu.wait_indirect_dma semaphore(%arg11 : memref<!tpu.dma_semaphore, #tpu.memory_space<semaphore_mem>>) src(%dma_wait3A_46 : memref<1048576xi32, #tpu.memory_space<hbm>>) dst(%dma_wait3A_41 : memref<128xi32, #tpu.memory_space<vmem>>)
    %dma_start3A_47 = arith.constant 1 : i32
    %dma_start3A_48 = arith.constant 1 : i32
    %dma_start3A_49 = arith.constant 0 : i32
    %dma_start3A_50 = tpu.memref_slice %arg9[%dma_start3A_48, %dma_start3A_49] : memref<2x128xi32, #tpu.memory_space<vmem>> -> memref<1x128xi32, #tpu.memory_space<vmem>>
    %dma_start3A_51 = tpu.memref_squeeze %dma_start3A_50 : memref<1x128xi32, #tpu.memory_space<vmem>> -> memref<128xi32, #tpu.memory_space<vmem>>
    %dma_start3A_52 = arith.constant 0 : i32
    %dma_start3A_53 = tpu.memref_slice %arg8[%dma_start3A_47, %dma_start3A_52] : memref<2x128xi32, #tpu.memory_space<vmem>> -> memref<1x128xi32, #tpu.memory_space<vmem>>
    %dma_start3A_54 = tpu.memref_squeeze %dma_start3A_53 : memref<1x128xi32, #tpu.memory_space<vmem>> -> memref<128xi32, #tpu.memory_space<vmem>>
    %dma_start3A_55 = arith.constant 0 : i32
    %dma_start3A_56 = tpu.memref_slice %arg5[%dma_start3A_55] : memref<1048576xi32, #tpu.memory_space<hbm>> -> memref<1048576xi32, #tpu.memory_space<hbm>>
    tpu.enqueue_indirect_dma source(%dma_start3A_56 : memref<1048576xi32, #tpu.memory_space<hbm>>) target(%dma_start3A_51 : memref<128xi32, #tpu.memory_space<vmem>>) offsets(%dma_start3A_54 : memref<128xi32, #tpu.memory_space<vmem>>) semaphore(%arg11 : memref<!tpu.dma_semaphore, #tpu.memory_space<semaphore_mem>>)
    %dma_start3A_57 = arith.constant 0 : i32
    %dma_start3A_58 = arith.constant 0 : i32
    %dma_start3A_59 = arith.constant 0 : i32
    %dma_start3A_60 = arith.constant 0 : i32
    %dma_start3A_61 = tpu.memref_slice %arg10[%dma_start3A_58, %dma_start3A_59, %dma_start3A_60] : memref<2x128x64xf32, #tpu.memory_space<vmem>> -> memref<1x128x64xf32, #tpu.memory_space<vmem>>
    %dma_start3A_62 = tpu.memref_squeeze %dma_start3A_61 : memref<1x128x64xf32, #tpu.memory_space<vmem>> -> memref<128x64xf32, #tpu.memory_space<vmem>>
    %dma_start3A_63 = arith.constant 0 : i32
    %dma_start3A_64 = tpu.memref_slice %arg9[%dma_start3A_57, %dma_start3A_63] : memref<2x128xi32, #tpu.memory_space<vmem>> -> memref<1x128xi32, #tpu.memory_space<vmem>>
    %dma_start3A_65 = tpu.memref_squeeze %dma_start3A_64 : memref<1x128xi32, #tpu.memory_space<vmem>> -> memref<128xi32, #tpu.memory_space<vmem>>
    %dma_start3A_66 = arith.constant 0 : i32
    %dma_start3A_67 = arith.constant 0 : i32
    %dma_start3A_68 = tpu.memref_slice %arg3[%dma_start3A_66, %dma_start3A_67] : memref<16384x64xf32, #tpu.memory_space<hbm>> -> memref<16384x64xf32, #tpu.memory_space<hbm>>
    tpu.enqueue_indirect_dma source(%dma_start3A_68 : memref<16384x64xf32, #tpu.memory_space<hbm>>) target(%dma_start3A_62 : memref<128x64xf32, #tpu.memory_space<vmem>>) offsets(%dma_start3A_65 : memref<128xi32, #tpu.memory_space<vmem>>) semaphore(%arg12 : memref<!tpu.dma_semaphore, #tpu.memory_space<semaphore_mem>>)
    %run_scoped3A_69 = arith.constant 0 : i32
    "tpu.region"() ({
      %run_scoped3A_309 = tpu.sem_alloc : memref<!tpu.dma_semaphore, #tpu.memory_space<semaphore_mem>>
      %dma_start3A_310 = arith.constant 0 : i32
      %dma_start3A_311 = tpu.memref_slice %arg8[%run_scoped3A_69, %dma_start3A_310] : memref<2x128xi32, #tpu.memory_space<vmem>> -> memref<1x128xi32, #tpu.memory_space<vmem>>
      %dma_start3A_312 = tpu.memref_squeeze %dma_start3A_311 : memref<1x128xi32, #tpu.memory_space<vmem>> -> memref<128xi32, #tpu.memory_space<vmem>>
      %dma_start3A_313 = tpu.memref_slice %arg2[%multiple_of3A_24] : memref<16384xi32, #tpu.memory_space<hbm>> -> memref<128xi32, #tpu.memory_space<hbm>>
      %dma_start3A_314 = arith.constant 0 : i32
      %dma_start3A_315 = tpu.memref_slice %arg8[%run_scoped3A_69, %dma_start3A_314] : memref<2x128xi32, #tpu.memory_space<vmem>> -> memref<1x128xi32, #tpu.memory_space<vmem>>
      %dma_start3A_316 = tpu.memref_squeeze %dma_start3A_315 : memref<1x128xi32, #tpu.memory_space<vmem>> -> memref<128xi32, #tpu.memory_space<vmem>>
      %dma_start3A_317 = tpu.memref_slice %arg2[%multiple_of3A_24] : memref<16384xi32, #tpu.memory_space<hbm>> -> memref<128xi32, #tpu.memory_space<hbm>>
      tpu.enqueue_dma source(%dma_start3A_317 : memref<128xi32, #tpu.memory_space<hbm>>) target(%dma_start3A_316 : memref<128xi32, #tpu.memory_space<vmem>>) target_semaphore(%run_scoped3A_309 : memref<!tpu.dma_semaphore, #tpu.memory_space<semaphore_mem>>)
      %dma_wait3A_318 = arith.constant 0 : i32
      %dma_wait3A_319 = tpu.memref_slice %arg8[%run_scoped3A_69, %dma_wait3A_318] : memref<2x128xi32, #tpu.memory_space<vmem>> -> memref<1x128xi32, #tpu.memory_space<vmem>>
      %dma_wait3A_320 = tpu.memref_squeeze %dma_wait3A_319 : memref<1x128xi32, #tpu.memory_space<vmem>> -> memref<128xi32, #tpu.memory_space<vmem>>
      %dma_wait3A_321 = tpu.memref_slice %arg2[%multiple_of3A_24] : memref<16384xi32, #tpu.memory_space<hbm>> -> memref<128xi32, #tpu.memory_space<hbm>>
      %dma_wait3A_322 = arith.constant 0 : i32
      %dma_wait3A_323 = tpu.memref_slice %arg8[%run_scoped3A_69, %dma_wait3A_322] : memref<2x128xi32, #tpu.memory_space<vmem>> -> memref<1x128xi32, #tpu.memory_space<vmem>>
      %dma_wait3A_324 = tpu.memref_squeeze %dma_wait3A_323 : memref<1x128xi32, #tpu.memory_space<vmem>> -> memref<128xi32, #tpu.memory_space<vmem>>
      %dma_wait3A_325 = tpu.memref_slice %arg2[%multiple_of3A_24] : memref<16384xi32, #tpu.memory_space<hbm>> -> memref<128xi32, #tpu.memory_space<hbm>>
      tpu.wait_dma2 semaphore(%run_scoped3A_309 : memref<!tpu.dma_semaphore, #tpu.memory_space<semaphore_mem>>) src(%dma_wait3A_325 : memref<128xi32, #tpu.memory_space<hbm>>) dst(%dma_wait3A_324 : memref<128xi32, #tpu.memory_space<vmem>>)
      tpu.yield
    }) : () -> ()
    %dma_wait3A_70 = arith.constant 1 : i32
    %dma_wait3A_71 = arith.constant 1 : i32
    %dma_wait3A_72 = arith.constant 0 : i32
    %dma_wait3A_73 = tpu.memref_slice %arg9[%dma_wait3A_71, %dma_wait3A_72] : memref<2x128xi32, #tpu.memory_space<vmem>> -> memref<1x128xi32, #tpu.memory_space<vmem>>
    %dma_wait3A_74 = tpu.memref_squeeze %dma_wait3A_73 : memref<1x128xi32, #tpu.memory_space<vmem>> -> memref<128xi32, #tpu.memory_space<vmem>>
    %dma_wait3A_75 = arith.constant 0 : i32
    %dma_wait3A_76 = tpu.memref_slice %arg8[%dma_wait3A_70, %dma_wait3A_75] : memref<2x128xi32, #tpu.memory_space<vmem>> -> memref<1x128xi32, #tpu.memory_space<vmem>>
    %dma_wait3A_77 = tpu.memref_squeeze %dma_wait3A_76 : memref<1x128xi32, #tpu.memory_space<vmem>> -> memref<128xi32, #tpu.memory_space<vmem>>
    %dma_wait3A_78 = arith.constant 0 : i32
    %dma_wait3A_79 = tpu.memref_slice %arg5[%dma_wait3A_78] : memref<1048576xi32, #tpu.memory_space<hbm>> -> memref<1048576xi32, #tpu.memory_space<hbm>>
    tpu.wait_indirect_dma semaphore(%arg11 : memref<!tpu.dma_semaphore, #tpu.memory_space<semaphore_mem>>) src(%dma_wait3A_79 : memref<1048576xi32, #tpu.memory_space<hbm>>) dst(%dma_wait3A_74 : memref<128xi32, #tpu.memory_space<vmem>>)
    %dma_wait3A_80 = arith.constant 0 : i32
    %dma_wait3A_81 = arith.constant 0 : i32
    %dma_wait3A_82 = arith.constant 0 : i32
    %dma_wait3A_83 = arith.constant 0 : i32
    %dma_wait3A_84 = tpu.memref_slice %arg10[%dma_wait3A_81, %dma_wait3A_82, %dma_wait3A_83] : memref<2x128x64xf32, #tpu.memory_space<vmem>> -> memref<1x128x64xf32, #tpu.memory_space<vmem>>
    %dma_wait3A_85 = tpu.memref_squeeze %dma_wait3A_84 : memref<1x128x64xf32, #tpu.memory_space<vmem>> -> memref<128x64xf32, #tpu.memory_space<vmem>>
    %dma_wait3A_86 = arith.constant 0 : i32
    %dma_wait3A_87 = tpu.memref_slice %arg9[%dma_wait3A_80, %dma_wait3A_86] : memref<2x128xi32, #tpu.memory_space<vmem>> -> memref<1x128xi32, #tpu.memory_space<vmem>>
    %dma_wait3A_88 = tpu.memref_squeeze %dma_wait3A_87 : memref<1x128xi32, #tpu.memory_space<vmem>> -> memref<128xi32, #tpu.memory_space<vmem>>
    %dma_wait3A_89 = arith.constant 0 : i32
    %dma_wait3A_90 = arith.constant 0 : i32
    %dma_wait3A_91 = tpu.memref_slice %arg3[%dma_wait3A_89, %dma_wait3A_90] : memref<16384x64xf32, #tpu.memory_space<hbm>> -> memref<16384x64xf32, #tpu.memory_space<hbm>>
    tpu.wait_indirect_dma semaphore(%arg12 : memref<!tpu.dma_semaphore, #tpu.memory_space<semaphore_mem>>) src(%dma_wait3A_91 : memref<16384x64xf32, #tpu.memory_space<hbm>>) dst(%dma_wait3A_85 : memref<128x64xf32, #tpu.memory_space<vmem>>)
    %dma_start3A_92 = arith.constant 0 : i32
    %dma_start3A_93 = arith.constant 0 : i32
    %dma_start3A_94 = arith.constant 0 : i32
    %dma_start3A_95 = tpu.memref_slice %arg10[%dma_start3A_92, %dma_start3A_93, %dma_start3A_94] : memref<2x128x64xf32, #tpu.memory_space<vmem>> -> memref<1x128x64xf32, #tpu.memory_space<vmem>>
    %dma_start3A_96 = tpu.memref_squeeze %dma_start3A_95 : memref<1x128x64xf32, #tpu.memory_space<vmem>> -> memref<128x64xf32, #tpu.memory_space<vmem>>
    %dma_start3A_97 = arith.constant 0 : i32
    %dma_start3A_98 = tpu.memref_slice %arg4[%multiple_of3A, %dma_start3A_97] : memref<16384x64xf32, #tpu.memory_space<hbm>> -> memref<128x64xf32, #tpu.memory_space<hbm>>
    %dma_start3A_99 = arith.constant 0 : i32
    %dma_start3A_100 = tpu.memref_slice %arg4[%multiple_of3A, %dma_start3A_99] : memref<16384x64xf32, #tpu.memory_space<hbm>> -> memref<128x64xf32, #tpu.memory_space<hbm>>
    %dma_start3A_101 = arith.constant 0 : i32
    %dma_start3A_102 = arith.constant 0 : i32
    %dma_start3A_103 = tpu.memref_slice %arg10[%dma_start3A_92, %dma_start3A_101, %dma_start3A_102] : memref<2x128x64xf32, #tpu.memory_space<vmem>> -> memref<1x128x64xf32, #tpu.memory_space<vmem>>
    %dma_start3A_104 = tpu.memref_squeeze %dma_start3A_103 : memref<1x128x64xf32, #tpu.memory_space<vmem>> -> memref<128x64xf32, #tpu.memory_space<vmem>>
    tpu.enqueue_dma source(%dma_start3A_104 : memref<128x64xf32, #tpu.memory_space<vmem>>) target(%dma_start3A_100 : memref<128x64xf32, #tpu.memory_space<hbm>>) target_semaphore(%arg13 : memref<!tpu.dma_semaphore, #tpu.memory_space<semaphore_mem>>)
    %dma_start3A_105 = arith.constant 0 : i32
    %dma_start3A_106 = arith.constant 0 : i32
    %dma_start3A_107 = arith.constant 0 : i32
    %dma_start3A_108 = tpu.memref_slice %arg9[%dma_start3A_106, %dma_start3A_107] : memref<2x128xi32, #tpu.memory_space<vmem>> -> memref<1x128xi32, #tpu.memory_space<vmem>>
    %dma_start3A_109 = tpu.memref_squeeze %dma_start3A_108 : memref<1x128xi32, #tpu.memory_space<vmem>> -> memref<128xi32, #tpu.memory_space<vmem>>
    %dma_start3A_110 = arith.constant 0 : i32
    %dma_start3A_111 = tpu.memref_slice %arg8[%dma_start3A_105, %dma_start3A_110] : memref<2x128xi32, #tpu.memory_space<vmem>> -> memref<1x128xi32, #tpu.memory_space<vmem>>
    %dma_start3A_112 = tpu.memref_squeeze %dma_start3A_111 : memref<1x128xi32, #tpu.memory_space<vmem>> -> memref<128xi32, #tpu.memory_space<vmem>>
    %dma_start3A_113 = arith.constant 0 : i32
    %dma_start3A_114 = tpu.memref_slice %arg5[%dma_start3A_113] : memref<1048576xi32, #tpu.memory_space<hbm>> -> memref<1048576xi32, #tpu.memory_space<hbm>>
    tpu.enqueue_indirect_dma source(%dma_start3A_114 : memref<1048576xi32, #tpu.memory_space<hbm>>) target(%dma_start3A_109 : memref<128xi32, #tpu.memory_space<vmem>>) offsets(%dma_start3A_112 : memref<128xi32, #tpu.memory_space<vmem>>) semaphore(%arg11 : memref<!tpu.dma_semaphore, #tpu.memory_space<semaphore_mem>>)
    %dma_start3A_115 = arith.constant 1 : i32
    %dma_start3A_116 = arith.constant 1 : i32
    %dma_start3A_117 = arith.constant 0 : i32
    %dma_start3A_118 = arith.constant 0 : i32
    %dma_start3A_119 = tpu.memref_slice %arg10[%dma_start3A_116, %dma_start3A_117, %dma_start3A_118] : memref<2x128x64xf32, #tpu.memory_space<vmem>> -> memref<1x128x64xf32, #tpu.memory_space<vmem>>
    %dma_start3A_120 = tpu.memref_squeeze %dma_start3A_119 : memref<1x128x64xf32, #tpu.memory_space<vmem>> -> memref<128x64xf32, #tpu.memory_space<vmem>>
    %dma_start3A_121 = arith.constant 0 : i32
    %dma_start3A_122 = tpu.memref_slice %arg9[%dma_start3A_115, %dma_start3A_121] : memref<2x128xi32, #tpu.memory_space<vmem>> -> memref<1x128xi32, #tpu.memory_space<vmem>>
    %dma_start3A_123 = tpu.memref_squeeze %dma_start3A_122 : memref<1x128xi32, #tpu.memory_space<vmem>> -> memref<128xi32, #tpu.memory_space<vmem>>
    %dma_start3A_124 = arith.constant 0 : i32
    %dma_start3A_125 = arith.constant 0 : i32
    %dma_start3A_126 = tpu.memref_slice %arg3[%dma_start3A_124, %dma_start3A_125] : memref<16384x64xf32, #tpu.memory_space<hbm>> -> memref<16384x64xf32, #tpu.memory_space<hbm>>
    tpu.enqueue_indirect_dma source(%dma_start3A_126 : memref<16384x64xf32, #tpu.memory_space<hbm>>) target(%dma_start3A_120 : memref<128x64xf32, #tpu.memory_space<vmem>>) offsets(%dma_start3A_123 : memref<128xi32, #tpu.memory_space<vmem>>) semaphore(%arg12 : memref<!tpu.dma_semaphore, #tpu.memory_space<semaphore_mem>>)
    %run_scoped3A_127 = arith.constant 1 : i32
    "tpu.region"() ({
      %run_scoped3A_309 = tpu.sem_alloc : memref<!tpu.dma_semaphore, #tpu.memory_space<semaphore_mem>>
      %dma_start3A_310 = arith.constant 0 : i32
      %dma_start3A_311 = tpu.memref_slice %arg8[%run_scoped3A_127, %dma_start3A_310] : memref<2x128xi32, #tpu.memory_space<vmem>> -> memref<1x128xi32, #tpu.memory_space<vmem>>
      %dma_start3A_312 = tpu.memref_squeeze %dma_start3A_311 : memref<1x128xi32, #tpu.memory_space<vmem>> -> memref<128xi32, #tpu.memory_space<vmem>>
      %dma_start3A_313 = tpu.memref_slice %arg2[%multiple_of3A_27] : memref<16384xi32, #tpu.memory_space<hbm>> -> memref<128xi32, #tpu.memory_space<hbm>>
      %dma_start3A_314 = arith.constant 0 : i32
      %dma_start3A_315 = tpu.memref_slice %arg8[%run_scoped3A_127, %dma_start3A_314] : memref<2x128xi32, #tpu.memory_space<vmem>> -> memref<1x128xi32, #tpu.memory_space<vmem>>
      %dma_start3A_316 = tpu.memref_squeeze %dma_start3A_315 : memref<1x128xi32, #tpu.memory_space<vmem>> -> memref<128xi32, #tpu.memory_space<vmem>>
      %dma_start3A_317 = tpu.memref_slice %arg2[%multiple_of3A_27] : memref<16384xi32, #tpu.memory_space<hbm>> -> memref<128xi32, #tpu.memory_space<hbm>>
      tpu.enqueue_dma source(%dma_start3A_317 : memref<128xi32, #tpu.memory_space<hbm>>) target(%dma_start3A_316 : memref<128xi32, #tpu.memory_space<vmem>>) target_semaphore(%run_scoped3A_309 : memref<!tpu.dma_semaphore, #tpu.memory_space<semaphore_mem>>)
      %dma_wait3A_318 = arith.constant 0 : i32
      %dma_wait3A_319 = tpu.memref_slice %arg8[%run_scoped3A_127, %dma_wait3A_318] : memref<2x128xi32, #tpu.memory_space<vmem>> -> memref<1x128xi32, #tpu.memory_space<vmem>>
      %dma_wait3A_320 = tpu.memref_squeeze %dma_wait3A_319 : memref<1x128xi32, #tpu.memory_space<vmem>> -> memref<128xi32, #tpu.memory_space<vmem>>
      %dma_wait3A_321 = tpu.memref_slice %arg2[%multiple_of3A_27] : memref<16384xi32, #tpu.memory_space<hbm>> -> memref<128xi32, #tpu.memory_space<hbm>>
      %dma_wait3A_322 = arith.constant 0 : i32
      %dma_wait3A_323 = tpu.memref_slice %arg8[%run_scoped3A_127, %dma_wait3A_322] : memref<2x128xi32, #tpu.memory_space<vmem>> -> memref<1x128xi32, #tpu.memory_space<vmem>>
      %dma_wait3A_324 = tpu.memref_squeeze %dma_wait3A_323 : memref<1x128xi32, #tpu.memory_space<vmem>> -> memref<128xi32, #tpu.memory_space<vmem>>
      %dma_wait3A_325 = tpu.memref_slice %arg2[%multiple_of3A_27] : memref<16384xi32, #tpu.memory_space<hbm>> -> memref<128xi32, #tpu.memory_space<hbm>>
      tpu.wait_dma2 semaphore(%run_scoped3A_309 : memref<!tpu.dma_semaphore, #tpu.memory_space<semaphore_mem>>) src(%dma_wait3A_325 : memref<128xi32, #tpu.memory_space<hbm>>) dst(%dma_wait3A_324 : memref<128xi32, #tpu.memory_space<vmem>>)
      tpu.yield
    }) : () -> ()
    %dma_wait3A_128 = arith.constant 0 : i32
    %dma_wait3A_129 = arith.constant 0 : i32
    %dma_wait3A_130 = arith.constant 0 : i32
    %dma_wait3A_131 = tpu.memref_slice %arg9[%dma_wait3A_129, %dma_wait3A_130] : memref<2x128xi32, #tpu.memory_space<vmem>> -> memref<1x128xi32, #tpu.memory_space<vmem>>
    %dma_wait3A_132 = tpu.memref_squeeze %dma_wait3A_131 : memref<1x128xi32, #tpu.memory_space<vmem>> -> memref<128xi32, #tpu.memory_space<vmem>>
    %dma_wait3A_133 = arith.constant 0 : i32
    %dma_wait3A_134 = tpu.memref_slice %arg8[%dma_wait3A_128, %dma_wait3A_133] : memref<2x128xi32, #tpu.memory_space<vmem>> -> memref<1x128xi32, #tpu.memory_space<vmem>>
    %dma_wait3A_135 = tpu.memref_squeeze %dma_wait3A_134 : memref<1x128xi32, #tpu.memory_space<vmem>> -> memref<128xi32, #tpu.memory_space<vmem>>
    %dma_wait3A_136 = arith.constant 0 : i32
    %dma_wait3A_137 = tpu.memref_slice %arg5[%dma_wait3A_136] : memref<1048576xi32, #tpu.memory_space<hbm>> -> memref<1048576xi32, #tpu.memory_space<hbm>>
    tpu.wait_indirect_dma semaphore(%arg11 : memref<!tpu.dma_semaphore, #tpu.memory_space<semaphore_mem>>) src(%dma_wait3A_137 : memref<1048576xi32, #tpu.memory_space<hbm>>) dst(%dma_wait3A_132 : memref<128xi32, #tpu.memory_space<vmem>>)
    %dma_wait3A_138 = arith.constant 1 : i32
    %dma_wait3A_139 = arith.constant 1 : i32
    %dma_wait3A_140 = arith.constant 0 : i32
    %dma_wait3A_141 = arith.constant 0 : i32
    %dma_wait3A_142 = tpu.memref_slice %arg10[%dma_wait3A_139, %dma_wait3A_140, %dma_wait3A_141] : memref<2x128x64xf32, #tpu.memory_space<vmem>> -> memref<1x128x64xf32, #tpu.memory_space<vmem>>
    %dma_wait3A_143 = tpu.memref_squeeze %dma_wait3A_142 : memref<1x128x64xf32, #tpu.memory_space<vmem>> -> memref<128x64xf32, #tpu.memory_space<vmem>>
    %dma_wait3A_144 = arith.constant 0 : i32
    %dma_wait3A_145 = tpu.memref_slice %arg9[%dma_wait3A_138, %dma_wait3A_144] : memref<2x128xi32, #tpu.memory_space<vmem>> -> memref<1x128xi32, #tpu.memory_space<vmem>>
    %dma_wait3A_146 = tpu.memref_squeeze %dma_wait3A_145 : memref<1x128xi32, #tpu.memory_space<vmem>> -> memref<128xi32, #tpu.memory_space<vmem>>
    %dma_wait3A_147 = arith.constant 0 : i32
    %dma_wait3A_148 = arith.constant 0 : i32
    %dma_wait3A_149 = tpu.memref_slice %arg3[%dma_wait3A_147, %dma_wait3A_148] : memref<16384x64xf32, #tpu.memory_space<hbm>> -> memref<16384x64xf32, #tpu.memory_space<hbm>>
    tpu.wait_indirect_dma semaphore(%arg12 : memref<!tpu.dma_semaphore, #tpu.memory_space<semaphore_mem>>) src(%dma_wait3A_149 : memref<16384x64xf32, #tpu.memory_space<hbm>>) dst(%dma_wait3A_143 : memref<128x64xf32, #tpu.memory_space<vmem>>)
    %dma_wait3A_150 = arith.constant 0 : i32
    %dma_wait3A_151 = arith.constant 0 : i32
    %dma_wait3A_152 = arith.constant 0 : i32
    %dma_wait3A_153 = tpu.memref_slice %arg10[%dma_wait3A_150, %dma_wait3A_151, %dma_wait3A_152] : memref<2x128x64xf32, #tpu.memory_space<vmem>> -> memref<1x128x64xf32, #tpu.memory_space<vmem>>
    %dma_wait3A_154 = tpu.memref_squeeze %dma_wait3A_153 : memref<1x128x64xf32, #tpu.memory_space<vmem>> -> memref<128x64xf32, #tpu.memory_space<vmem>>
    %dma_wait3A_155 = arith.constant 0 : i32
    %dma_wait3A_156 = tpu.memref_slice %arg4[%multiple_of3A, %dma_wait3A_155] : memref<16384x64xf32, #tpu.memory_space<hbm>> -> memref<128x64xf32, #tpu.memory_space<hbm>>
    %dma_wait3A_157 = arith.constant 0 : i32
    %dma_wait3A_158 = tpu.memref_slice %arg4[%multiple_of3A, %dma_wait3A_157] : memref<16384x64xf32, #tpu.memory_space<hbm>> -> memref<128x64xf32, #tpu.memory_space<hbm>>
    %dma_wait3A_159 = arith.constant 0 : i32
    %dma_wait3A_160 = arith.constant 0 : i32
    %dma_wait3A_161 = tpu.memref_slice %arg10[%dma_wait3A_150, %dma_wait3A_159, %dma_wait3A_160] : memref<2x128x64xf32, #tpu.memory_space<vmem>> -> memref<1x128x64xf32, #tpu.memory_space<vmem>>
    %dma_wait3A_162 = tpu.memref_squeeze %dma_wait3A_161 : memref<1x128x64xf32, #tpu.memory_space<vmem>> -> memref<128x64xf32, #tpu.memory_space<vmem>>
    tpu.wait_dma2 semaphore(%arg13 : memref<!tpu.dma_semaphore, #tpu.memory_space<semaphore_mem>>) src(%dma_wait3A_162 : memref<128x64xf32, #tpu.memory_space<vmem>>) dst(%dma_wait3A_158 : memref<128x64xf32, #tpu.memory_space<hbm>>)
    %dma_start3A_163 = arith.constant 1 : i32
    %dma_start3A_164 = arith.constant 0 : i32
    %dma_start3A_165 = arith.constant 0 : i32
    %dma_start3A_166 = tpu.memref_slice %arg10[%dma_start3A_163, %dma_start3A_164, %dma_start3A_165] : memref<2x128x64xf32, #tpu.memory_space<vmem>> -> memref<1x128x64xf32, #tpu.memory_space<vmem>>
    %dma_start3A_167 = tpu.memref_squeeze %dma_start3A_166 : memref<1x128x64xf32, #tpu.memory_space<vmem>> -> memref<128x64xf32, #tpu.memory_space<vmem>>
    %dma_start3A_168 = arith.constant 0 : i32
    %dma_start3A_169 = tpu.memref_slice %arg4[%multiple_of3A_21, %dma_start3A_168] : memref<16384x64xf32, #tpu.memory_space<hbm>> -> memref<128x64xf32, #tpu.memory_space<hbm>>
    %dma_start3A_170 = arith.constant 0 : i32
    %dma_start3A_171 = tpu.memref_slice %arg4[%multiple_of3A_21, %dma_start3A_170] : memref<16384x64xf32, #tpu.memory_space<hbm>> -> memref<128x64xf32, #tpu.memory_space<hbm>>
    %dma_start3A_172 = arith.constant 0 : i32
    %dma_start3A_173 = arith.constant 0 : i32
    %dma_start3A_174 = tpu.memref_slice %arg10[%dma_start3A_163, %dma_start3A_172, %dma_start3A_173] : memref<2x128x64xf32, #tpu.memory_space<vmem>> -> memref<1x128x64xf32, #tpu.memory_space<vmem>>
    %dma_start3A_175 = tpu.memref_squeeze %dma_start3A_174 : memref<1x128x64xf32, #tpu.memory_space<vmem>> -> memref<128x64xf32, #tpu.memory_space<vmem>>
    tpu.enqueue_dma source(%dma_start3A_175 : memref<128x64xf32, #tpu.memory_space<vmem>>) target(%dma_start3A_171 : memref<128x64xf32, #tpu.memory_space<hbm>>) target_semaphore(%arg13 : memref<!tpu.dma_semaphore, #tpu.memory_space<semaphore_mem>>)
    %dma_start3A_176 = arith.constant 1 : i32
    %dma_start3A_177 = arith.constant 1 : i32
    %dma_start3A_178 = arith.constant 0 : i32
    %dma_start3A_179 = tpu.memref_slice %arg9[%dma_start3A_177, %dma_start3A_178] : memref<2x128xi32, #tpu.memory_space<vmem>> -> memref<1x128xi32, #tpu.memory_space<vmem>>
    %dma_start3A_180 = tpu.memref_squeeze %dma_start3A_179 : memref<1x128xi32, #tpu.memory_space<vmem>> -> memref<128xi32, #tpu.memory_space<vmem>>
    %dma_start3A_181 = arith.constant 0 : i32
    %dma_start3A_182 = tpu.memref_slice %arg8[%dma_start3A_176, %dma_start3A_181] : memref<2x128xi32, #tpu.memory_space<vmem>> -> memref<1x128xi32, #tpu.memory_space<vmem>>
    %dma_start3A_183 = tpu.memref_squeeze %dma_start3A_182 : memref<1x128xi32, #tpu.memory_space<vmem>> -> memref<128xi32, #tpu.memory_space<vmem>>
    %dma_start3A_184 = arith.constant 0 : i32
    %dma_start3A_185 = tpu.memref_slice %arg5[%dma_start3A_184] : memref<1048576xi32, #tpu.memory_space<hbm>> -> memref<1048576xi32, #tpu.memory_space<hbm>>
    tpu.enqueue_indirect_dma source(%dma_start3A_185 : memref<1048576xi32, #tpu.memory_space<hbm>>) target(%dma_start3A_180 : memref<128xi32, #tpu.memory_space<vmem>>) offsets(%dma_start3A_183 : memref<128xi32, #tpu.memory_space<vmem>>) semaphore(%arg11 : memref<!tpu.dma_semaphore, #tpu.memory_space<semaphore_mem>>)
    %dma_start3A_186 = arith.constant 0 : i32
    %dma_start3A_187 = arith.constant 0 : i32
    %dma_start3A_188 = arith.constant 0 : i32
    %dma_start3A_189 = arith.constant 0 : i32
    %dma_start3A_190 = tpu.memref_slice %arg10[%dma_start3A_187, %dma_start3A_188, %dma_start3A_189] : memref<2x128x64xf32, #tpu.memory_space<vmem>> -> memref<1x128x64xf32, #tpu.memory_space<vmem>>
    %dma_start3A_191 = tpu.memref_squeeze %dma_start3A_190 : memref<1x128x64xf32, #tpu.memory_space<vmem>> -> memref<128x64xf32, #tpu.memory_space<vmem>>
    %dma_start3A_192 = arith.constant 0 : i32
    %dma_start3A_193 = tpu.memref_slice %arg9[%dma_start3A_186, %dma_start3A_192] : memref<2x128xi32, #tpu.memory_space<vmem>> -> memref<1x128xi32, #tpu.memory_space<vmem>>
    %dma_start3A_194 = tpu.memref_squeeze %dma_start3A_193 : memref<1x128xi32, #tpu.memory_space<vmem>> -> memref<128xi32, #tpu.memory_space<vmem>>
    %dma_start3A_195 = arith.constant 0 : i32
    %dma_start3A_196 = arith.constant 0 : i32
    %dma_start3A_197 = tpu.memref_slice %arg3[%dma_start3A_195, %dma_start3A_196] : memref<16384x64xf32, #tpu.memory_space<hbm>> -> memref<16384x64xf32, #tpu.memory_space<hbm>>
    tpu.enqueue_indirect_dma source(%dma_start3A_197 : memref<16384x64xf32, #tpu.memory_space<hbm>>) target(%dma_start3A_191 : memref<128x64xf32, #tpu.memory_space<vmem>>) offsets(%dma_start3A_194 : memref<128xi32, #tpu.memory_space<vmem>>) semaphore(%arg12 : memref<!tpu.dma_semaphore, #tpu.memory_space<semaphore_mem>>)
    %dma_wait3A_198 = arith.constant 1 : i32
    %dma_wait3A_199 = arith.constant 1 : i32
    %dma_wait3A_200 = arith.constant 0 : i32
    %dma_wait3A_201 = tpu.memref_slice %arg9[%dma_wait3A_199, %dma_wait3A_200] : memref<2x128xi32, #tpu.memory_space<vmem>> -> memref<1x128xi32, #tpu.memory_space<vmem>>
    %dma_wait3A_202 = tpu.memref_squeeze %dma_wait3A_201 : memref<1x128xi32, #tpu.memory_space<vmem>> -> memref<128xi32, #tpu.memory_space<vmem>>
    %dma_wait3A_203 = arith.constant 0 : i32
    %dma_wait3A_204 = tpu.memref_slice %arg8[%dma_wait3A_198, %dma_wait3A_203] : memref<2x128xi32, #tpu.memory_space<vmem>> -> memref<1x128xi32, #tpu.memory_space<vmem>>
    %dma_wait3A_205 = tpu.memref_squeeze %dma_wait3A_204 : memref<1x128xi32, #tpu.memory_space<vmem>> -> memref<128xi32, #tpu.memory_space<vmem>>
    %dma_wait3A_206 = arith.constant 0 : i32
    %dma_wait3A_207 = tpu.memref_slice %arg5[%dma_wait3A_206] : memref<1048576xi32, #tpu.memory_space<hbm>> -> memref<1048576xi32, #tpu.memory_space<hbm>>
    tpu.wait_indirect_dma semaphore(%arg11 : memref<!tpu.dma_semaphore, #tpu.memory_space<semaphore_mem>>) src(%dma_wait3A_207 : memref<1048576xi32, #tpu.memory_space<hbm>>) dst(%dma_wait3A_202 : memref<128xi32, #tpu.memory_space<vmem>>)
    %dma_wait3A_208 = arith.constant 0 : i32
    %dma_wait3A_209 = arith.constant 0 : i32
    %dma_wait3A_210 = arith.constant 0 : i32
    %dma_wait3A_211 = arith.constant 0 : i32
    %dma_wait3A_212 = tpu.memref_slice %arg10[%dma_wait3A_209, %dma_wait3A_210, %dma_wait3A_211] : memref<2x128x64xf32, #tpu.memory_space<vmem>> -> memref<1x128x64xf32, #tpu.memory_space<vmem>>
    %dma_wait3A_213 = tpu.memref_squeeze %dma_wait3A_212 : memref<1x128x64xf32, #tpu.memory_space<vmem>> -> memref<128x64xf32, #tpu.memory_space<vmem>>
    %dma_wait3A_214 = arith.constant 0 : i32
    %dma_wait3A_215 = tpu.memref_slice %arg9[%dma_wait3A_208, %dma_wait3A_214] : memref<2x128xi32, #tpu.memory_space<vmem>> -> memref<1x128xi32, #tpu.memory_space<vmem>>
    %dma_wait3A_216 = tpu.memref_squeeze %dma_wait3A_215 : memref<1x128xi32, #tpu.memory_space<vmem>> -> memref<128xi32, #tpu.memory_space<vmem>>
    %dma_wait3A_217 = arith.constant 0 : i32
    %dma_wait3A_218 = arith.constant 0 : i32
    %dma_wait3A_219 = tpu.memref_slice %arg3[%dma_wait3A_217, %dma_wait3A_218] : memref<16384x64xf32, #tpu.memory_space<hbm>> -> memref<16384x64xf32, #tpu.memory_space<hbm>>
    tpu.wait_indirect_dma semaphore(%arg12 : memref<!tpu.dma_semaphore, #tpu.memory_space<semaphore_mem>>) src(%dma_wait3A_219 : memref<16384x64xf32, #tpu.memory_space<hbm>>) dst(%dma_wait3A_213 : memref<128x64xf32, #tpu.memory_space<vmem>>)
    %dma_wait3A_220 = arith.constant 1 : i32
    %dma_wait3A_221 = arith.constant 0 : i32
    %dma_wait3A_222 = arith.constant 0 : i32
    %dma_wait3A_223 = tpu.memref_slice %arg10[%dma_wait3A_220, %dma_wait3A_221, %dma_wait3A_222] : memref<2x128x64xf32, #tpu.memory_space<vmem>> -> memref<1x128x64xf32, #tpu.memory_space<vmem>>
    %dma_wait3A_224 = tpu.memref_squeeze %dma_wait3A_223 : memref<1x128x64xf32, #tpu.memory_space<vmem>> -> memref<128x64xf32, #tpu.memory_space<vmem>>
    %dma_wait3A_225 = arith.constant 0 : i32
    %dma_wait3A_226 = tpu.memref_slice %arg4[%multiple_of3A_21, %dma_wait3A_225] : memref<16384x64xf32, #tpu.memory_space<hbm>> -> memref<128x64xf32, #tpu.memory_space<hbm>>
    %dma_wait3A_227 = arith.constant 0 : i32
    %dma_wait3A_228 = tpu.memref_slice %arg4[%multiple_of3A_21, %dma_wait3A_227] : memref<16384x64xf32, #tpu.memory_space<hbm>> -> memref<128x64xf32, #tpu.memory_space<hbm>>
    %dma_wait3A_229 = arith.constant 0 : i32
    %dma_wait3A_230 = arith.constant 0 : i32
    %dma_wait3A_231 = tpu.memref_slice %arg10[%dma_wait3A_220, %dma_wait3A_229, %dma_wait3A_230] : memref<2x128x64xf32, #tpu.memory_space<vmem>> -> memref<1x128x64xf32, #tpu.memory_space<vmem>>
    %dma_wait3A_232 = tpu.memref_squeeze %dma_wait3A_231 : memref<1x128x64xf32, #tpu.memory_space<vmem>> -> memref<128x64xf32, #tpu.memory_space<vmem>>
    tpu.wait_dma2 semaphore(%arg13 : memref<!tpu.dma_semaphore, #tpu.memory_space<semaphore_mem>>) src(%dma_wait3A_232 : memref<128x64xf32, #tpu.memory_space<vmem>>) dst(%dma_wait3A_228 : memref<128x64xf32, #tpu.memory_space<hbm>>)
    %dma_start3A_233 = arith.constant 0 : i32
    %dma_start3A_234 = arith.constant 0 : i32
    %dma_start3A_235 = arith.constant 0 : i32
    %dma_start3A_236 = tpu.memref_slice %arg10[%dma_start3A_233, %dma_start3A_234, %dma_start3A_235] : memref<2x128x64xf32, #tpu.memory_space<vmem>> -> memref<1x128x64xf32, #tpu.memory_space<vmem>>
    %dma_start3A_237 = tpu.memref_squeeze %dma_start3A_236 : memref<1x128x64xf32, #tpu.memory_space<vmem>> -> memref<128x64xf32, #tpu.memory_space<vmem>>
    %dma_start3A_238 = arith.constant 0 : i32
    %dma_start3A_239 = tpu.memref_slice %arg4[%multiple_of3A_24, %dma_start3A_238] : memref<16384x64xf32, #tpu.memory_space<hbm>> -> memref<128x64xf32, #tpu.memory_space<hbm>>
    %dma_start3A_240 = arith.constant 0 : i32
    %dma_start3A_241 = tpu.memref_slice %arg4[%multiple_of3A_24, %dma_start3A_240] : memref<16384x64xf32, #tpu.memory_space<hbm>> -> memref<128x64xf32, #tpu.memory_space<hbm>>
    %dma_start3A_242 = arith.constant 0 : i32
    %dma_start3A_243 = arith.constant 0 : i32
    %dma_start3A_244 = tpu.memref_slice %arg10[%dma_start3A_233, %dma_start3A_242, %dma_start3A_243] : memref<2x128x64xf32, #tpu.memory_space<vmem>> -> memref<1x128x64xf32, #tpu.memory_space<vmem>>
    %dma_start3A_245 = tpu.memref_squeeze %dma_start3A_244 : memref<1x128x64xf32, #tpu.memory_space<vmem>> -> memref<128x64xf32, #tpu.memory_space<vmem>>
    tpu.enqueue_dma source(%dma_start3A_245 : memref<128x64xf32, #tpu.memory_space<vmem>>) target(%dma_start3A_241 : memref<128x64xf32, #tpu.memory_space<hbm>>) target_semaphore(%arg13 : memref<!tpu.dma_semaphore, #tpu.memory_space<semaphore_mem>>)
    %dma_start3A_246 = arith.constant 1 : i32
    %dma_start3A_247 = arith.constant 1 : i32
    %dma_start3A_248 = arith.constant 0 : i32
    %dma_start3A_249 = arith.constant 0 : i32
    %dma_start3A_250 = tpu.memref_slice %arg10[%dma_start3A_247, %dma_start3A_248, %dma_start3A_249] : memref<2x128x64xf32, #tpu.memory_space<vmem>> -> memref<1x128x64xf32, #tpu.memory_space<vmem>>
    %dma_start3A_251 = tpu.memref_squeeze %dma_start3A_250 : memref<1x128x64xf32, #tpu.memory_space<vmem>> -> memref<128x64xf32, #tpu.memory_space<vmem>>
    %dma_start3A_252 = arith.constant 0 : i32
    %dma_start3A_253 = tpu.memref_slice %arg9[%dma_start3A_246, %dma_start3A_252] : memref<2x128xi32, #tpu.memory_space<vmem>> -> memref<1x128xi32, #tpu.memory_space<vmem>>
    %dma_start3A_254 = tpu.memref_squeeze %dma_start3A_253 : memref<1x128xi32, #tpu.memory_space<vmem>> -> memref<128xi32, #tpu.memory_space<vmem>>
    %dma_start3A_255 = arith.constant 0 : i32
    %dma_start3A_256 = arith.constant 0 : i32
    %dma_start3A_257 = tpu.memref_slice %arg3[%dma_start3A_255, %dma_start3A_256] : memref<16384x64xf32, #tpu.memory_space<hbm>> -> memref<16384x64xf32, #tpu.memory_space<hbm>>
    tpu.enqueue_indirect_dma source(%dma_start3A_257 : memref<16384x64xf32, #tpu.memory_space<hbm>>) target(%dma_start3A_251 : memref<128x64xf32, #tpu.memory_space<vmem>>) offsets(%dma_start3A_254 : memref<128xi32, #tpu.memory_space<vmem>>) semaphore(%arg12 : memref<!tpu.dma_semaphore, #tpu.memory_space<semaphore_mem>>)
    %dma_wait3A_258 = arith.constant 1 : i32
    %dma_wait3A_259 = arith.constant 1 : i32
    %dma_wait3A_260 = arith.constant 0 : i32
    %dma_wait3A_261 = arith.constant 0 : i32
    %dma_wait3A_262 = tpu.memref_slice %arg10[%dma_wait3A_259, %dma_wait3A_260, %dma_wait3A_261] : memref<2x128x64xf32, #tpu.memory_space<vmem>> -> memref<1x128x64xf32, #tpu.memory_space<vmem>>
    %dma_wait3A_263 = tpu.memref_squeeze %dma_wait3A_262 : memref<1x128x64xf32, #tpu.memory_space<vmem>> -> memref<128x64xf32, #tpu.memory_space<vmem>>
    %dma_wait3A_264 = arith.constant 0 : i32
    %dma_wait3A_265 = tpu.memref_slice %arg9[%dma_wait3A_258, %dma_wait3A_264] : memref<2x128xi32, #tpu.memory_space<vmem>> -> memref<1x128xi32, #tpu.memory_space<vmem>>
    %dma_wait3A_266 = tpu.memref_squeeze %dma_wait3A_265 : memref<1x128xi32, #tpu.memory_space<vmem>> -> memref<128xi32, #tpu.memory_space<vmem>>
    %dma_wait3A_267 = arith.constant 0 : i32
    %dma_wait3A_268 = arith.constant 0 : i32
    %dma_wait3A_269 = tpu.memref_slice %arg3[%dma_wait3A_267, %dma_wait3A_268] : memref<16384x64xf32, #tpu.memory_space<hbm>> -> memref<16384x64xf32, #tpu.memory_space<hbm>>
    tpu.wait_indirect_dma semaphore(%arg12 : memref<!tpu.dma_semaphore, #tpu.memory_space<semaphore_mem>>) src(%dma_wait3A_269 : memref<16384x64xf32, #tpu.memory_space<hbm>>) dst(%dma_wait3A_263 : memref<128x64xf32, #tpu.memory_space<vmem>>)
    %dma_wait3A_270 = arith.constant 0 : i32
    %dma_wait3A_271 = arith.constant 0 : i32
    %dma_wait3A_272 = arith.constant 0 : i32
    %dma_wait3A_273 = tpu.memref_slice %arg10[%dma_wait3A_270, %dma_wait3A_271, %dma_wait3A_272] : memref<2x128x64xf32, #tpu.memory_space<vmem>> -> memref<1x128x64xf32, #tpu.memory_space<vmem>>
    %dma_wait3A_274 = tpu.memref_squeeze %dma_wait3A_273 : memref<1x128x64xf32, #tpu.memory_space<vmem>> -> memref<128x64xf32, #tpu.memory_space<vmem>>
    %dma_wait3A_275 = arith.constant 0 : i32
    %dma_wait3A_276 = tpu.memref_slice %arg4[%multiple_of3A_24, %dma_wait3A_275] : memref<16384x64xf32, #tpu.memory_space<hbm>> -> memref<128x64xf32, #tpu.memory_space<hbm>>
    %dma_wait3A_277 = arith.constant 0 : i32
    %dma_wait3A_278 = tpu.memref_slice %arg4[%multiple_of3A_24, %dma_wait3A_277] : memref<16384x64xf32, #tpu.memory_space<hbm>> -> memref<128x64xf32, #tpu.memory_space<hbm>>
    %dma_wait3A_279 = arith.constant 0 : i32
    %dma_wait3A_280 = arith.constant 0 : i32
    %dma_wait3A_281 = tpu.memref_slice %arg10[%dma_wait3A_270, %dma_wait3A_279, %dma_wait3A_280] : memref<2x128x64xf32, #tpu.memory_space<vmem>> -> memref<1x128x64xf32, #tpu.memory_space<vmem>>
    %dma_wait3A_282 = tpu.memref_squeeze %dma_wait3A_281 : memref<1x128x64xf32, #tpu.memory_space<vmem>> -> memref<128x64xf32, #tpu.memory_space<vmem>>
    tpu.wait_dma2 semaphore(%arg13 : memref<!tpu.dma_semaphore, #tpu.memory_space<semaphore_mem>>) src(%dma_wait3A_282 : memref<128x64xf32, #tpu.memory_space<vmem>>) dst(%dma_wait3A_278 : memref<128x64xf32, #tpu.memory_space<hbm>>)
    %dma_start3A_283 = arith.constant 1 : i32
    %dma_start3A_284 = arith.constant 0 : i32
    %dma_start3A_285 = arith.constant 0 : i32
    %dma_start3A_286 = tpu.memref_slice %arg10[%dma_start3A_283, %dma_start3A_284, %dma_start3A_285] : memref<2x128x64xf32, #tpu.memory_space<vmem>> -> memref<1x128x64xf32, #tpu.memory_space<vmem>>
    %dma_start3A_287 = tpu.memref_squeeze %dma_start3A_286 : memref<1x128x64xf32, #tpu.memory_space<vmem>> -> memref<128x64xf32, #tpu.memory_space<vmem>>
    %dma_start3A_288 = arith.constant 0 : i32
    %dma_start3A_289 = tpu.memref_slice %arg4[%multiple_of3A_27, %dma_start3A_288] : memref<16384x64xf32, #tpu.memory_space<hbm>> -> memref<128x64xf32, #tpu.memory_space<hbm>>
    %dma_start3A_290 = arith.constant 0 : i32
    %dma_start3A_291 = tpu.memref_slice %arg4[%multiple_of3A_27, %dma_start3A_290] : memref<16384x64xf32, #tpu.memory_space<hbm>> -> memref<128x64xf32, #tpu.memory_space<hbm>>
    %dma_start3A_292 = arith.constant 0 : i32
    %dma_start3A_293 = arith.constant 0 : i32
    %dma_start3A_294 = tpu.memref_slice %arg10[%dma_start3A_283, %dma_start3A_292, %dma_start3A_293] : memref<2x128x64xf32, #tpu.memory_space<vmem>> -> memref<1x128x64xf32, #tpu.memory_space<vmem>>
    %dma_start3A_295 = tpu.memref_squeeze %dma_start3A_294 : memref<1x128x64xf32, #tpu.memory_space<vmem>> -> memref<128x64xf32, #tpu.memory_space<vmem>>
    tpu.enqueue_dma source(%dma_start3A_295 : memref<128x64xf32, #tpu.memory_space<vmem>>) target(%dma_start3A_291 : memref<128x64xf32, #tpu.memory_space<hbm>>) target_semaphore(%arg13 : memref<!tpu.dma_semaphore, #tpu.memory_space<semaphore_mem>>)
    %dma_wait3A_296 = arith.constant 1 : i32
    %dma_wait3A_297 = arith.constant 0 : i32
    %dma_wait3A_298 = arith.constant 0 : i32
    %dma_wait3A_299 = tpu.memref_slice %arg10[%dma_wait3A_296, %dma_wait3A_297, %dma_wait3A_298] : memref<2x128x64xf32, #tpu.memory_space<vmem>> -> memref<1x128x64xf32, #tpu.memory_space<vmem>>
    %dma_wait3A_300 = tpu.memref_squeeze %dma_wait3A_299 : memref<1x128x64xf32, #tpu.memory_space<vmem>> -> memref<128x64xf32, #tpu.memory_space<vmem>>
    %dma_wait3A_301 = arith.constant 0 : i32
    %dma_wait3A_302 = tpu.memref_slice %arg4[%multiple_of3A_27, %dma_wait3A_301] : memref<16384x64xf32, #tpu.memory_space<hbm>> -> memref<128x64xf32, #tpu.memory_space<hbm>>
    %dma_wait3A_303 = arith.constant 0 : i32
    %dma_wait3A_304 = tpu.memref_slice %arg4[%multiple_of3A_27, %dma_wait3A_303] : memref<16384x64xf32, #tpu.memory_space<hbm>> -> memref<128x64xf32, #tpu.memory_space<hbm>>
    %dma_wait3A_305 = arith.constant 0 : i32
    %dma_wait3A_306 = arith.constant 0 : i32
    %dma_wait3A_307 = tpu.memref_slice %arg10[%dma_wait3A_296, %dma_wait3A_305, %dma_wait3A_306] : memref<2x128x64xf32, #tpu.memory_space<vmem>> -> memref<1x128x64xf32, #tpu.memory_space<vmem>>
    %dma_wait3A_308 = tpu.memref_squeeze %dma_wait3A_307 : memref<1x128x64xf32, #tpu.memory_space<vmem>> -> memref<128x64xf32, #tpu.memory_space<vmem>>
    tpu.wait_dma2 semaphore(%arg13 : memref<!tpu.dma_semaphore, #tpu.memory_space<semaphore_mem>>) src(%dma_wait3A_308 : memref<128x64xf32, #tpu.memory_space<vmem>>) dst(%dma_wait3A_304 : memref<128x64xf32, #tpu.memory_space<hbm>>)
    return
  }
}

</mosaic_0001>

<sc_bundles>
// kernel: _scatter_gather.3.cloned.1.call-start
scs
__scs_entry_jumppad:
0x0: {  	(pc) =	sbr.rel $0x88, $3  }
0x1: {  	(tag) =	ssettag $0x0;
	lr =	simm.s32 $0x1  }
0x2: {  	[smem:$0x3F9F] =	sst lr;
	_ =	strace $0xD0000000  }
0x3: {  	_ = 	snop  }
0x4: {  	_ = 	snop  }
0x5: {  	_ = 	snop  }
0x6: {  	_ = 	snop  }
0x7: {  	_ = 	snop  }
__scs_overlays_trampoline_lowered:
0x8: {  	[smem:$0x3FAE] =	sst s0  }
0x9: {  	[smem:$0x3FAF] =	sst s1  }
0xa: {  	[smem:$0x3FB0] =	sst s2  }
0xb: {  	[smem:$0x3FB1] =	sst s3  }
0xc: {  	[smem:$0x3FB2] =	sst s4  }
0xd: {  	[smem:$0x3FB3] =	sst s5  }
0xe: {  	[smem:$0x3FB4] =	sst s6  }
0xf: {  	[smem:$0x3FB5] =	sst s7  }
0x10: {  	[smem:$0x3FB6] =	sst s8  }
0x11: {  	[smem:$0x3FB7] =	sst s9;
	s0 =	simm.s32 @!p0 $0x0  }
0x12: {  	s1 =	sld [smem:$0x3F9D];
	s0 =	simm.s32 @p0 $0x1  }
0x13: {  	[smem:$0x3FB8] =	sst s0;
	s0 =	simm.s32 @!p1 $0x0  }
0x14: {  	s2 =	sld [smem:$0x3F9C];
	s0 =	simm.s32 @p1 $0x1  }
0x15: {  	[smem:$0x3FB9] =	sst s0;
	s0 =	simm.s32 @!p2 $0x0  }
0x16: {  	s3 =	sld [smem:$0x3FDB];
	s0 =	simm.s32 @p2 $0x1  }
0x17: {  	s4 =	simm.s32 $0x1BF5;
	[smem:$0x3FBB] =	sst s0  }
0x18: {  	s0 =	sld [smem:$0x3F9E];
	_ =	swait.ge [sflag:s4], $0x0  }
0x19: {  	s7 =	sld [smem:$0x3F9F]  }
0x1a: {  	s8 =	sadd.s32 $0xFFFFE003, lr  }
0x1b: {  	s9 =	sadd.s32 $0xFFFFFEF7, lr;
	s5 =	simm.s32 $0xFFFFFFFF;
	p2 =	slt.u32 s8, $0xFFFFF086  }
0x1c: {  	p1 =	slt.u32 s9, $0xF7A;
	s5 =	simm.s32 @!p2 $0x0  }
0x1d: {  	s5 =	simm.s32 @p1 $0x1;
	p0 =	seq.s32 s7, s2  }
0x1e: {  	s7 =	smul.u32 @!p0 $0xF7A, s2;
	p2 =	seq.s32 @!p0 s5, $0x0  }
0x1f: {  	s9 =	smul.u32 $0xF7A, s1;
	s8 =	simm.s32 @!p0 $0x1BF5;
	p2 =	por !p2, p0  }
0x20: {  	[sflag:s8] =	ssyncset.s32 @!p0 $0xFFFFF086;
	s6 =	sadd.s32 @!p0 s3, s7;
	s7 =	simm.s32 @!p0 $0x108  }
0x21: {  	s3 =	sadd.s32 s3, s9;
	s6 =	sadd.s32 @!p0 $0x88, s6;
	s7 =	simm.s32 @p2 $0x1082  }
0x22: {  	[simem:s7], [sflag:s8] =	dma.local @!p0 [hbm:s6], $0xF7A  }
0x23: {  	s9 =	sor.u32 $0xD0000000, s2;
	s6 =	simm.s32 $0x108;
	_ =	swait.ge @!p0 [sflag:s8], $0x0  }
0x24: {  	s3 =	sadd.s32 $0x88, s3;
	s6 =	simm.s32 @!p1 $0x1082;
	[sflag:s4] =	ssyncset.s32 $0xFFFFF086  }
0x25: {  	[simem:s6], [sflag:s4] =	dma.local [hbm:s3], $0xF7A  }
0x26: {  	[smem:$0x3F9F] =	sst s1;
	(tag) =	ssettag s2;
	_ =	strace s9  }
0x27: {  	s1 =	sld [smem:$0x3FAF]  }
0x28: {  	s2 =	sld [smem:$0x3FB0]  }
0x29: {  	s4 =	sld [smem:$0x3FB2]  }
0x2a: {  	p0 =	seq.s32 s5, $0x0;
	s5 =	sld [smem:$0x3FB3]  }
0x2b: {  	s6 =	sld [smem:$0x3FB4]  }
0x2c: {  	s7 =	sld [smem:$0x3FB5]  }
0x2d: {  	s3 =	simm.s32 $0x108;
	s8 =	sld [smem:$0x3FB6]  }
0x2e: {  	s3 =	simm.s32 @!p0 $0x1082;
	s9 =	sld [smem:$0x3FB7]  }
0x2f: {  	lr =	sadd.s32 s0, s3;
	s0 =	sld [smem:$0x3FAE]  }
0x30: {  	s3 =	sld [smem:$0x3FB1]  }
0x31: {  	[smem:$0x3FBA] =	sst s10  }
0x32: {  	s10 =	sld [smem:$0x3FB8];
	_ =	sdelay $0x3  }
0x33: {  	p0 =	seq.s32 s10, $0x1;
	s10 =	sld [smem:$0x3FBA];
	_ =	sdelay $0x3  }
0x34: {  	[smem:$0x3FBA] =	sst s10  }
0x35: {  	s10 =	sld [smem:$0x3FB9];
	_ =	sdelay $0x3  }
0x36: {  	p1 =	seq.s32 s10, $0x1;
	s10 =	sld [smem:$0x3FBA];
	_ =	sdelay $0x3  }
0x37: {  	[smem:$0x3FBA] =	sst s10  }
0x38: {  	s10 =	sld [smem:$0x3FBB]  }
0x39: {  	_ = 	snop;
	(pc) =	sbr.ind lr, $3  }
0x3a: {  	_ = 	snop  }
0x3b: {  	_ = 	snop  }
0x3c: {  	p2 =	seq.s32 s10, $0x1;
	s10 =	sld [smem:$0x3FBA]  }
0x3d: {  	_ =	shalt  }
0x3e: {  	_ =	shalt  }
0x3f: {  	_ =	shalt  }
0x40: {  	_ =	shalt  }
0x41: {  	_ =	shalt  }
0x42: {  	_ =	shalt  }
0x43: {  	_ =	shalt  }
0x44: {  	_ =	shalt  }
0x45: {  	_ =	shalt  }
0x46: {  	_ =	shalt  }
0x47: {  	_ =	shalt  }
0x48: {  	_ =	shalt  }
0x49: {  	_ =	shalt  }
0x4a: {  	_ =	shalt  }
0x4b: {  	_ =	shalt  }
0x4c: {  	_ =	shalt  }
0x4d: {  	_ =	shalt  }
0x4e: {  	_ =	shalt  }
0x4f: {  	_ =	shalt  }
0x50: {  	_ =	shalt  }
0x51: {  	_ =	shalt  }
0x52: {  	_ =	shalt  }
0x53: {  	_ =	shalt  }
0x54: {  	_ =	shalt  }
0x55: {  	_ =	shalt  }
0x56: {  	_ =	shalt  }
0x57: {  	_ =	shalt  }
0x58: {  	_ =	shalt  }
0x59: {  	_ =	shalt  }
0x5a: {  	_ =	shalt  }
0x5b: {  	_ =	shalt  }
0x5c: {  	_ =	shalt  }
0x5d: {  	_ =	shalt  }
0x5e: {  	_ =	shalt  }
0x5f: {  	_ =	shalt  }
0x60: {  	_ =	shalt  }
0x61: {  	_ =	shalt  }
0x62: {  	_ =	shalt  }
0x63: {  	_ =	shalt  }
0x64: {  	_ =	shalt  }
0x65: {  	_ =	shalt  }
0x66: {  	_ =	shalt  }
0x67: {  	_ =	shalt  }
0x68: {  	_ =	shalt  }
0x69: {  	_ =	shalt  }
0x6a: {  	_ =	shalt  }
0x6b: {  	_ =	shalt  }
0x6c: {  	_ =	shalt  }
0x6d: {  	_ =	shalt  }
0x6e: {  	_ =	shalt  }
0x6f: {  	_ =	shalt  }
0x70: {  	_ =	shalt  }
0x71: {  	_ =	shalt  }
0x72: {  	_ =	shalt  }
0x73: {  	_ =	shalt  }
0x74: {  	_ =	shalt  }
0x75: {  	_ =	shalt  }
0x76: {  	_ =	shalt  }
0x77: {  	_ =	shalt  }
0x78: {  	_ =	shalt  }
0x79: {  	_ =	shalt  }
0x7a: {  	_ =	shalt  }
0x7b: {  	_ =	shalt  }
0x7c: {  	_ =	shalt  }
0x7d: {  	_ =	shalt  }
0x7e: {  	_ =	shalt  }
0x7f: {  	_ =	shalt  }
0x80: {  	_ =	shalt  }
0x81: {  	_ =	shalt  }
0x82: {  	_ =	shalt  }
0x83: {  	_ =	shalt  }
0x84: {  	_ =	shalt  }
0x85: {  	_ =	shalt  }
0x86: {  	_ =	shalt  }
0x87: {  	_ =	shalt  }
.Lfunc_end0:
.L_simem_size_0:
called_computation_lowered:
.L_overlay_start_0:
0x88: {  	s2 =	sld [smem:$0x3FD9]  }
0x89: {  	s3 =	sld [smem:$0x3FFE];
	_ =	sdelay $0x1  }
0x8a: {  	s1 =	srdreg.scid  }
0x8b: {  	s0 =	sand.u32 $0x1, s1  }
0x8c: {  	s17 =	sshll.u32 s0, $0xA;
	s2 =	sadd.s32 s3, s2  }
0x8d: {  	s2 =	sadd.s32 s2, s17  }
0x8e: {  	[smem:$0x3FC6] =	sst s2  }
0x8f: {  	_ = 	snop  }
0x90: {  	s2 =	sld [smem:$0x3FC9]  }
0x91: {  	s18 =	sld [smem:$0x3FD0];
	(tm) =	ssettm $0x1  }
0x92: {  	s4 =	sld [smem:$0x3FFB];
	_ =	sdelay $0x3  }
0x93: {  	_ =	strace s4  }
0x94: {  	s4 =	sld [smem:$0x3FFC];
	_ =	sdelay $0x3  }
0x95: {  	_ =	strace s4  }
0x96: {  	s4 =	sld [smem:$0x3FFD];
	_ =	sdelay $0x3  }
0x97: {  	_ =	strace s4  }
0x98: {  	_ =	strace $0x8FFFFFFF  }
0x99: {  	s19 =	sld [smem:$0x3FDB];
	_ =	sdelay $0x1  }
0x9a: {  	s5 =	simm.s32 $_scs_section_size  }
0x9b: {  	s6 =	simm.s32 $_size__tile_overlayer_lowered;
	s7 =	simm.s32 $_tile_overlayer_lowered  }
0x9c: {  	s22 =	simm.s32 $0x1BFF;
	s21 =	sshll.u32 s7, $0x1;
	s4 =	sadd.s32 s5, s19  }
0x9d: {  	s8 =	simm.s32 $0x0;
	s20 =	sshll.u32 s6, $0x1;
	s6 =	sadd.s32 s21, s4  }
0x9e: {  	[timem:s8], [sflag:s22] =	dma.local [hbm:s6], s20  }
0x9f: {  	_ =	swait.ge [sflag:s22], s20  }
0xa0: {  	s5 =	ssub.s32 $0x0, s20;
	[sflag:s22] =	ssyncset.done $0x0  }
0xa1: {  	[sflag:s22] =	ssyncadd.s32 s5;
	_ =	sdelay $0x1  }
0xa2: {  	s23 =	simm.s32 $0x1B8B  }
0xa3: {  	_ =	swait.ge [sflag:s23], $0x1  }
0xa4: {  	[sflag:s23] =	ssyncset.done $0x0  }
0xa5: {  	s25 =	simm.s32 $0x1B8E;
	s24 =	sld [smem:$0x3FFE];
	[sflag:s23] =	ssyncadd.s32 $0xFFFFFFFF  }
0xa6: {  	s26 =	simm.s32 $execute0_lowered;
	[smem:$0x3FD2] =	sst s25  }
0xa7: {  	s6 =	sshll.u32 s26, $0x1;
	_ =	strace $0x80000046;
	[dreg:$0x1] =	wrdreg $0xFFFFFFFF  }
0xa8: {  	s28 =	simm.s32 $_size_execute0_lowered;
	s4 =	sadd.s32 s4, s6;
	[dreg:$0x0] =	wrdreg $0x0  }
0xa9: {  	s6 =	sshll.u32 s28, $0x1;
	[dreg:$0x2] =	wrdreg s4  }
0xaa: {  	[dreg:$0x3] =	wrdreg s6  }
0xab: {  	[dreg:$0x4] =	wrdreg $0xC0  }
0xac: {  	_ =	task [dreg:s8], $0x5FFFF  }
0xad: {  	[dreg:$0x1] =	wrdreg $0xFFFFFFFF  }
0xae: {  	[dreg:$0x0] =	wrdreg $0x60  }
0xaf: {  	[dreg:$0x2] =	wrdreg s2  }
0xb0: {  	[dreg:$0x3] =	wrdreg s18  }
0xb1: {  	[dreg:$0x4] =	wrdreg s24  }
0xb2: {  	[dreg:$0x5] =	wrdreg $0x9  }
0xb3: {  	_ =	task.clear_ibuf [dreg:s8], $0x6FFFF;
	_ =	strace $0x90000046  }
0xb4: {  	s29 =	simm.s32 $0x9;
	_ =	strace $0x80000048  }
0xb5: {  	_ =	swait.ge [sflag:s29], $0x1  }
0xb6: {  	[sflag:s29] =	ssyncadd.s32 $0xFFFFFFFF  }
0xb7: {  	_ =	strace $0x90000048  }
0xb8: {  	_ =	sfence  }
0xb9: {  	s30 =	sld [smem:$0x0];
	_ =	sdelay $0x2  }
0xba: {  	s31 =	sshll.u32 s1, $0xD;
	s1 =	sshrl.u32 s1, $0x2  }
0xbb: {  	s3 =	sand.u32 $0x4000, s31;
	s1 =	sadd.s32 s1, s30  }
0xbc: {  	s0 =	sor.u32 s3, s0;
	s1 =	sshll.u32 s1, $0x11  }
0xbd: {  	s0 =	sor.u32 s1, s0  }
0xbe: {  	s0 =	sadd.s32 $0x8F2B, s0  }
0xbf: {  	[sflag:s0] =	ssyncadd.remote.s32 $0x1  }
0xc0: {  	_ =	sfence.sel $0xFFFF  }
0xc1: {  	[dreg:$0x0] =	wrdreg $0xFFFFFFFF;
	(pc) =	sbr.abs _section_cstart, $3  }
0xc2: {  	[dreg:$0x1] =	wrdreg $0xFFFFFFFF  }
0xc3: {  	_ =	task.clear_ibuf [dreg:s8], $0x2FFFF;
	_ =	strace $0x9FFFFFFF  }
0xc4: {  	(tm) =	ssettm $0x7FFFFFFF  }
0xc5: {  	_ =	shalt  }
tec
execute0_lowered:
.L_overlay_start_1:
0x0: {  	(tag) =	ssettag $0x1  }
0x1: {  	s1 =	rddreg [dreg:$0x0]  }
0x2: {  	s2 =	rddreg [dreg:$0x1]  }
0x3: {  	s0 =	rddreg [dreg:$0x2];
	s3 =	simm.s32 $0x0  }
0x4: {  	s4 =	srdreg.scid;
	s19 =	stileid.u32;
	s16 =	simm.s32 $0x4  }
0x5: {  	s17 =	simm.s32 $0x4000;
	s18 =	simm.s32 $0x14000;
	s28 =	simm.s32 $0x3  }
0x6: {  	s29 =	simm.s32 $0x0;
	[smem:$0x7FF] =	sst s3;
	s6 =	sand.u32 $0x1, s4  }
0x7: {  	s14 =	sadd.s32 $0x20800, s0;
	s5 =	sadd.s32 $0x800, s0;
	s23 =	sshll.u32 s19, $0x10  }
0x8: {  	s21 =	sshll.u32 s19, $0xD;
	s22 =	sshll.u32 s19, $0xA;
	s19 =	simm.s32 $0x80  }
0x9: {  	_ =	strace $0x80000047;
	s7 =	ssub.s32 $0x2, s6;
	s9 =	sshll.u32 s6, $0x9  }
0xa: {  	s24 =	sadd.s32 $0x10000, s23;
	s25 =	sadd.s32 s5, s21;
	s21 =	simm.s32 $0x14080  }
0xb: {  	s8 =	sshrl.u32 s7, $0x1;
	[dreg:$0x4] =	wrdreg s25;
	s9 =	sor.u32 s9, s22  }
0xc: {  	v0 =	vimm.s32 $0xFFEDCBA9;
	v1 =	vimm.s32 $0x87654321;
	s22 =	simm.s32 $0x1;
	s25 =	simm.s32 $0x2;
	s20 =	ssub.s32 s7, s8  }
0xd: {  	v0 =	vunpack.c.l.s4.s8 v0;
	v1 =	vunpack.c.l.s4.s8 v1;
	s12 =	sor.u32 $0x80, s9;
	s13 =	sor.u32 $0x100, s9;
	s26 =	sshrl.u32 s9, $0x3  }
0xe: {  	s15 =	sor.u32 $0x180, s9;
	s11 =	sshll.u32 s9, $0x3;
	s7 =	sadd.s32 s1, s26  }
0xf: {  	v0 =	vunpack.c.0.s8.s32 v0;
	v1 =	vunpack.c.0.s8.s32 v1;
	s30 =	sshrl.u32 s12, $0x3;
	s10 =	sshrl.u32 s13, $0x3;
	s31 =	sshrl.u32 s15, $0x3  }
0x10: {  	s12 =	sshll.u32 s12, $0x3;
	s13 =	sshll.u32 s13, $0x3;
	s15 =	sshll.u32 s15, $0x3  }
0x11: {  	v3 =	vcombine.low v1, v0;
	v0 =	vmov s23;
	v1 =	vmov s24;
	s23 =	simm.s32 $0x14180;
	s24 =	simm.s32 $0x14200;
	s26 =	simm.s32 $0x16200  }
0x12: {  	s8 =	sadd.s32 s1, s30;
	s9 =	sadd.s32 s1, s10;
	s10 =	sadd.s32 s14, s11  }
0x13: {  	s11 =	sadd.s32 s1, s31;
	s12 =	sadd.s32 s14, s12;
	s13 =	sadd.s32 s14, s13  }
0x14: {  	v2 =	vlaneseq.u32;
	vm0 =	vcmask $0x3F3C;
	s14 =	sadd.s32 s14, s15;
	s15 =	smax.u32 s20, $0x1;
	s20 =	simm.s32 $0x14100;
	v3 =	vand.u32 $0xF, v3  }
.LBB2_1:
0x15: {  	s0 =	rddreg [dreg:$0x0]  }
0x16: {  	[tilespmem:s3], [sflag:$0x4] =	stream.linear.gather [hbm4b:s0+s3], $0x4000, $0x38;
	[tilespmem:$0x18200] =	vst v63  }
0x17: {  	_ =	swait.ge [sflag:s16], $0x4000  }
0x18: {  	[sflag:s16] =	ssyncset.done $0x0  }
0x19: {  	s30 =	simm.s32 $0x20;
	[sflag:s16] =	ssyncadd.s32 $0xFFFFC000  }
0x1a: {  	v4 =	vld [tilespmem:s30+$0xFFFFFFE0]  }
0x1b: {  	v5 =	vld [tilespmem:s30+$0xFFFFFFF0];
	_ =	sdelay $0x2  }
0x1c: {  	v6 =	vld [tilespmem:s30+$0x0]  }
0x1d: {  	v4 =	vshll.u32 v4, $0x4  }
0x1e: {  	v5 =	vshll.u32 v5, $0x4;
	v4 =	vor.u32 v2, v4  }
0x1f: {  	v5 =	vor.u32 v2, v5;
	(xrf1) =	vsort.ascd.msk.u32 $0xffff, v4, v4  }
0x20: {  	v7 =	vld [tilespmem:s30+$0x10];
	(xrf1) =	vsort.ascd.msk.u32 $0xffff, v5, v5  }
0x21: {  	v6 =	vshll.u32 v6, $0x4  }
0x22: {  	v4 =	vor.u32 v2, v6  }
0x23: {  	(xrf1) =	vsort.ascd.msk.u32 $0xffff, v4, v4;
	_ =	sdelay $0x1  }
0x24: {  	v4 =	vshll.u32 v7, $0x4  }
0x25: {  	v4 =	vor.u32 v2, v4  }
0x26: {  	(xrf1) =	vsort.ascd.msk.u32 $0xffff, v4, v4;
	_ =	sdelay $0x5  }
0x27: {  	v7, _, _ =	vpop (xrf1)  }
0x28: {  	v5 =	vand.u32 $0xF, v7;
	v8 =	vperm.xlane v7, v3;
	v4, _, _ =	vpop (xrf1)  }
0x29: {  	v11 =	vshra.s32 v7, $0x4;
	v6 =	vor.u32 s3, v5;
	v9 =	vshra.s32 v4, $0x4  }
0x2a: {  	v10 =	vperm.xlane v4, v3;
	vm6 =	vlt.s32 v11, v1;
	v7 =	vshra.s32 v8, $0x4  }
0x2b: {  	v8 =	vsub.s32 v9, v0;
	vm7 =	vge.s32 v9, v0;
	v5, _, _ =	vpop (xrf1);
	vm1 =	vne.s32 v11, v7  }
0x2c: {  	v7 =	vshra.s32 v10, $0x4;
	v10 =	vsub.s32 v11, v0;
	v12 =	vshra.s32 v5, $0x4  }
0x2d: {  	vm1 =	vmor vm1, vm0;
	vm3 =	vne.s32 v9, v7;
	v13 =	vperm.xlane v5, v3  }
0x2e: {  	vm2 =	vlt.s32 v12, v1;
	vm4 =	vge.s32 v12, v0;
	vm5 =	vmor vm3, vm0  }
0x2f: {  	vm3 =	vge.s32 v11, v0;
	vm2 =	vmand vm4, vm2;
	vm4 =	vlt.s32 v9, v1;
	v7, _, _ =	vpop (xrf1)  }
0x30: {  	vm3 =	vmand vm3, vm6;
	v13 =	vshra.s32 v13, $0x4;
	v11 =	vshra.s32 v7, $0x4  }
0x31: {  	vm4 =	vmand vm7, vm4;
	vm3 =	vmand vm3, vm1;
	v14 =	vperm.xlane v7, v3  }
0x32: {  	vm6 =	vne.s32 v12, v13;
	vm1 =	vmand vm4, vm5;
	v9 =	vnsel vm3, $0x0, v10  }
0x33: {  	vm4 =	vge.s32 v11, v0;
	vm5 =	vlt.s32 v11, v1;
	v14 =	vshra.s32 v14, $0x4  }
0x34: {  	v10 =	vsub.s32 v12, v0;
	vm4 =	vmand vm4, vm5;
	vm7 =	vne.s32 v11, v14  }
0x35: {  	s31 =	simm.s32 $0x0;
	s0 =	simm.s32 $0x40;
	vm5 =	vmor vm6, vm0;
	v11 =	vsub.s32 v11, v0;
	vm6 =	vmor vm7, vm0  }
.LBB2_2:
0x36: {  	p0 =	sne.s32 s0, $0x3FC0  }
0x37: {  	v8 =	vnsel vm1, $0x0, v8;
	vm2 =	vmand vm2, vm5;
	vm4 =	vmand vm4, vm6;
	s30 =	sadd.s32 $0x40, s30;
	s4 =	smov.u32 s0;
	s0 =	sadd.s32 $0x40, s0  }
0x38: {  	v7 =	vand.u32 $0xF, v7;
	[tilespmem:v9+s17+$0x0] =	vst.idx.msk vm3, v6;
	v6 =	vnsel vm2, $0x0, v10;
	v9 =	vnsel vm4, $0x0, v11  }
0x39: {  	v4 =	vand.u32 $0xF, v4;
	v5 =	vand.u32 $0xF, v5  }
0x3a: {  	s1 =	sadd.s32 $0x10, s31  }
0x3b: {  	s6 =	sadd.s32 $0x20, s31;
	v4 =	vor.u32 s1, v4  }
0x3c: {  	s1 =	sadd.s32 $0x30, s31;
	s31 =	smov.u32 s4;
	[tilespmem:v8+s17+$0x0] =	vst.idx.msk vm1, v4;
	v4 =	vor.u32 s6, v5  }
0x3d: {  	[tilespmem:v6+s17+$0x0] =	vst.idx.msk vm2, v4;
	v4 =	vor.u32 s1, v7  }
0x3e: {  	[tilespmem:v9+s17+$0x0] =	vst.idx.msk vm4, v4  }
0x3f: {  	v4 =	vld [tilespmem:s30+$0xFFFFFFE0]  }
0x40: {  	v5 =	vld [tilespmem:s30+$0xFFFFFFF0]  }
0x41: {  	v6 =	vld [tilespmem:s30+$0x0];
	_ =	sdelay $0x2  }
0x42: {  	v4 =	vshll.u32 v4, $0x4  }
0x43: {  	v4 =	vor.u32 v2, v4;
	v5 =	vshll.u32 v5, $0x4  }
0x44: {  	v5 =	vor.u32 v2, v5;
	v6 =	vshll.u32 v6, $0x4;
	v7 =	vld [tilespmem:s30+$0x10];
	(xrf1) =	vsort.ascd.msk.u32 $0xffff, v4, v4  }
0x45: {  	v4 =	vor.u32 v2, v6;
	(xrf1) =	vsort.ascd.msk.u32 $0xffff, v5, v5  }
0x46: {  	(xrf1) =	vsort.ascd.msk.u32 $0xffff, v4, v4;
	_ =	sdelay $0x2  }
0x47: {  	v4 =	vshll.u32 v7, $0x4  }
0x48: {  	v4 =	vor.u32 v2, v4  }
0x49: {  	(xrf1) =	vsort.ascd.msk.u32 $0xffff, v4, v4;
	_ =	sdelay $0x6  }
0x4a: {  	v7, _, _ =	vpop (xrf1)  }
0x4b: {  	v11 =	vand.u32 $0xF, v7;
	v8 =	vperm.xlane v7, v3;
	v4, _, _ =	vpop (xrf1)  }
0x4c: {  	v6 =	vor.u32 s31, v11;
	v9 =	vshra.s32 v4, $0x4;
	v10 =	vperm.xlane v4, v3;
	v5, _, _ =	vpop (xrf1)  }
0x4d: {  	v11 =	vshra.s32 v7, $0x4;
	v7 =	vshra.s32 v8, $0x4;
	v12 =	vshra.s32 v5, $0x4  }
0x4e: {  	vm1 =	vne.s32 v11, v7;
	v7 =	vshra.s32 v10, $0x4;
	vm2 =	vlt.s32 v12, v1  }
0x4f: {  	vm4 =	vge.s32 v12, v0;
	vm1 =	vmor vm1, vm0;
	vm3 =	vne.s32 v9, v7  }
0x50: {  	v10 =	vsub.s32 v11, v0;
	vm2 =	vmand vm4, vm2;
	vm5 =	vmor vm3, vm0  }
0x51: {  	v8 =	vsub.s32 v9, v0;
	vm4 =	vlt.s32 v9, v1;
	vm3 =	vge.s32 v11, v0;
	v7, _, _ =	vpop (xrf1)  }
0x52: {  	vm6 =	vlt.s32 v11, v1;
	vm7 =	vge.s32 v9, v0;
	v11 =	vshra.s32 v7, $0x4  }
0x53: {  	v13 =	vperm.xlane v5, v3;
	vm4 =	vmand vm7, vm4;
	vm3 =	vmand vm3, vm6  }
.Ltmp0:
0x54: {  	vm3 =	vmand vm3, vm1;
	vm1 =	vmand vm4, vm5;
	v14 =	vperm.xlane v7, v3;
	(pc) =	sbr.rel @p0 .LBB2_2-.Ltmp0, $4  }
0x55: {  	v9 =	vnsel vm3, $0x0, v10;
	vm4 =	vge.s32 v11, v0;
	vm5 =	vlt.s32 v11, v1  }
0x56: {  	v13 =	vshra.s32 v13, $0x4;
	v10 =	vsub.s32 v12, v0;
	v14 =	vshra.s32 v14, $0x4  }
0x57: {  	vm6 =	vne.s32 v12, v13;
	vm4 =	vmand vm4, vm5;
	vm7 =	vne.s32 v11, v14  }
0x58: {  	vm5 =	vmor vm6, vm0;
	v11 =	vsub.s32 v11, v0;
	vm6 =	vmor vm7, vm0  }
0x59: {  	_ = 	snop  }
0x5a: {  	v8 =	vnsel vm1, $0x0, v8;
	vm2 =	vmand vm2, vm5  }
0x5b: {  	vm4 =	vmand vm4, vm6;
	v10 =	vnsel vm2, $0x0, v10  }
0x5c: {  	v11 =	vnsel vm4, $0x0, v11  }
0x5d: {  	v4 =	vand.u32 $0xF, v4;
	s0 =	sadd.s32 $0x10, s31  }
0x5e: {  	[tilespmem:v9+s17+$0x0] =	vst.idx.msk vm3, v6;
	v5 =	vand.u32 $0xF, v5;
	s6 =	sadd.s32 $0x20, s31;
	v4 =	vor.u32 s0, v4  }
0x5f: {  	v63 =	vand.u32 $0xF, v7;
	s30 =	sadd.s32 $0x30, s31;
	v5 =	vor.u32 s6, v5;
	[tilespmem:v8+s17+$0x0] =	vst.idx.msk vm1, v4  }
0x60: {  	v4 =	vor.u32 s30, v63;
	[tilespmem:v10+s17+$0x0] =	vst.idx.msk vm2, v5  }
0x61: {  	s31 =	rddreg [dreg:$0x4];
	[tilespmem:v11+s17+$0x0] =	vst.idx.msk vm4, v4  }
0x62: {  	[hbm4b:s31+s3] =	stream.linear.scatter [tilespmem:s17], [sflag:$0x4], $0x10000, $0x38;
	[tilespmem:$0x18200] =	vst v63  }
0x63: {  	_ =	swait.ge [sflag:s16], $0x10000  }
0x64: {  	[sflag:s16] =	ssyncset.done $0x0  }
0x65: {  	[sflag:s16] =	ssyncadd.s32 $0xFFFF0000  }
0x66: {  	[bflag:$0x0] =	sbarrier.arrive $0xFFFF  }
0x67: {  	[tilespmem:s18], [sflag:$0x4] =	stream.linear.gather [hbm4b:s7+s3], $0x80, $0x38;
	[tilespmem:$0x18200] =	vst v63  }
0x68: {  	_ =	swait.ge [sflag:s16], $0x80  }
0x69: {  	[sflag:s16] =	ssyncset.done $0x0  }
0x6a: {  	[sflag:s16] =	ssyncadd.s32 $0xFFFFFF80  }
0x6b: {  	[tilespmem:s20], [sflag:$0x1] =	stream.indirect.gather [hbm4b:s5+s19], $0x1, s18, s19, $0xb8;
	[tilespmem:$0x18200] =	vst v63  }
0x6c: {  	_ = 	snop  }
0x6d: {  	[tilespmem:s21], [sflag:$0x4] =	stream.linear.gather [hbm4b:s8+s3], $0x80, $0x38;
	[tilespmem:$0x18200] =	vst v63  }
0x6e: {  	_ =	swait.ge [sflag:s16], $0x80  }
0x6f: {  	[sflag:s16] =	ssyncset.done $0x0  }
0x70: {  	[sflag:s16] =	ssyncadd.s32 $0xFFFFFF80  }
0x71: {  	_ =	swait.ge [sflag:s22], $0x80  }
0x72: {  	[sflag:s22] =	ssyncset.done $0x0  }
0x73: {  	[sflag:s22] =	ssyncadd.s32 $0xFFFFFF80  }
0x74: {  	[tilespmem:s23], [sflag:$0x1] =	stream.indirect.gather [hbm4b:s5+s19], $0x1, s21, s19, $0xb8;
	[tilespmem:$0x18200] =	vst v63  }
0x75: {  	_ = 	snop  }
0x76: {  	[tilespmem:s24], [sflag:$0x2] =	stream.indirect.gather [hbm4b:s2+s19], $0x40, s20, s19, $0xb8;
	[tilespmem:$0x18200] =	vst v63  }
0x77: {  	_ = 	snop  }
0x78: {  	[tilespmem:s18], [sflag:$0x4] =	stream.linear.gather [hbm4b:s9+s3], $0x80, $0x38;
	[tilespmem:$0x18200] =	vst v63  }
0x79: {  	_ =	swait.ge [sflag:s16], $0x80  }
0x7a: {  	[sflag:s16] =	ssyncset.done $0x0  }
0x7b: {  	[sflag:s16] =	ssyncadd.s32 $0xFFFFFF80  }
0x7c: {  	_ =	swait.ge [sflag:s22], $0x80  }
0x7d: {  	[sflag:s22] =	ssyncset.done $0x0  }
0x7e: {  	[sflag:s22] =	ssyncadd.s32 $0xFFFFFF80  }
0x7f: {  	_ =	swait.ge [sflag:s25], $0x2000  }
0x80: {  	[sflag:s25] =	ssyncset.done $0x0  }
0x81: {  	[sflag:s25] =	ssyncadd.s32 $0xFFFFE000  }
0x82: {  	[hbm4b:s10+s3] =	stream.linear.scatter [tilespmem:s24], [sflag:$0x3], $0x2000, $0x38;
	[tilespmem:$0x18200] =	vst v63  }
0x83: {  	_ = 	snop  }
0x84: {  	[tilespmem:s20], [sflag:$0x1] =	stream.indirect.gather [hbm4b:s5+s19], $0x1, s18, s19, $0xb8;
	[tilespmem:$0x18200] =	vst v63  }
0x85: {  	_ = 	snop  }
0x86: {  	[tilespmem:s26], [sflag:$0x2] =	stream.indirect.gather [hbm4b:s2+s19], $0x40, s23, s19, $0xb8;
	[tilespmem:$0x18200] =	vst v63  }
0x87: {  	_ = 	snop  }
0x88: {  	[tilespmem:s21], [sflag:$0x4] =	stream.linear.gather [hbm4b:s11+s3], $0x80, $0x38;
	[tilespmem:$0x18200] =	vst v63  }
0x89: {  	_ =	swait.ge [sflag:s16], $0x80  }
0x8a: {  	[sflag:s16] =	ssyncset.done $0x0  }
0x8b: {  	[sflag:s16] =	ssyncadd.s32 $0xFFFFFF80  }
0x8c: {  	_ =	swait.ge [sflag:s22], $0x80  }
0x8d: {  	[sflag:s22] =	ssyncset.done $0x0  }
0x8e: {  	[sflag:s22] =	ssyncadd.s32 $0xFFFFFF80  }
0x8f: {  	_ =	swait.ge [sflag:s25], $0x2000  }
0x90: {  	[sflag:s25] =	ssyncset.done $0x0  }
0x91: {  	[sflag:s25] =	ssyncadd.s32 $0xFFFFE000  }
0x92: {  	_ =	swait.ge [sflag:s28], $0x2000  }
0x93: {  	[sflag:s28] =	ssyncset.done $0x0  }
0x94: {  	[sflag:s28] =	ssyncadd.s32 $0xFFFFE000  }
0x95: {  	[hbm4b:s12+s3] =	stream.linear.scatter [tilespmem:s26], [sflag:$0x3], $0x2000, $0x38;
	[tilespmem:$0x18200] =	vst v63  }
0x96: {  	_ = 	snop  }
0x97: {  	[tilespmem:s23], [sflag:$0x1] =	stream.indirect.gather [hbm4b:s5+s19], $0x1, s21, s19, $0xb8;
	[tilespmem:$0x18200] =	vst v63  }
0x98: {  	_ = 	snop  }
0x99: {  	[tilespmem:s24], [sflag:$0x2] =	stream.indirect.gather [hbm4b:s2+s19], $0x40, s20, s19, $0xb8;
	[tilespmem:$0x18200] =	vst v63  }
0x9a: {  	_ =	swait.ge [sflag:s22], $0x80  }
0x9b: {  	[sflag:s22] =	ssyncset.done $0x0  }
0x9c: {  	[sflag:s22] =	ssyncadd.s32 $0xFFFFFF80  }
0x9d: {  	_ =	swait.ge [sflag:s25], $0x2000  }
0x9e: {  	[sflag:s25] =	ssyncset.done $0x0  }
0x9f: {  	[sflag:s25] =	ssyncadd.s32 $0xFFFFE000  }
0xa0: {  	_ =	swait.ge [sflag:s28], $0x2000  }
0xa1: {  	[sflag:s28] =	ssyncset.done $0x0  }
0xa2: {  	[sflag:s28] =	ssyncadd.s32 $0xFFFFE000  }
0xa3: {  	[hbm4b:s13+s3] =	stream.linear.scatter [tilespmem:s24], [sflag:$0x3], $0x2000, $0x38;
	[tilespmem:$0x18200] =	vst v63  }
0xa4: {  	_ = 	snop  }
0xa5: {  	[tilespmem:s26], [sflag:$0x2] =	stream.indirect.gather [hbm4b:s2+s19], $0x40, s23, s19, $0xb8;
	[tilespmem:$0x18200] =	vst v63  }
0xa6: {  	_ =	swait.ge [sflag:s25], $0x2000  }
0xa7: {  	[sflag:s25] =	ssyncset.done $0x0  }
0xa8: {  	[sflag:s25] =	ssyncadd.s32 $0xFFFFE000  }
0xa9: {  	s29 =	sadd.s32 $0x1, s29;
	_ =	swait.ge [sflag:s28], $0x2000  }
0xaa: {  	p0 =	sne.s32 s29, s15;
	[sflag:s28] =	ssyncset.done $0x0  }
.Ltmp1:
0xab: {  	[sflag:s28] =	ssyncadd.s32 $0xFFFFE000;
	(pc) =	sbr.rel @p0 .LBB2_1-.Ltmp1, $4  }
0xac: {  	[hbm4b:s14+s3] =	stream.linear.scatter [tilespmem:s26], [sflag:$0x3], $0x2000, $0x38;
	[tilespmem:$0x18200] =	vst v63  }
0xad: {  	_ =	swait.ge [sflag:s28], $0x2000  }
0xae: {  	[sflag:s28] =	ssyncset.done $0x0  }
0xaf: {  	[sflag:s28] =	ssyncadd.s32 $0xFFFFE000  }
0xb0: {  	_ =	sfence.sel $0x180000  }
0xb1: {  	[bflag:$0x0] =	sbarrier.arrive $0xFFFF  }
0xb2: {  	_ =	strace $0x90000047  }
0xb3: {  	s0 =	stileid.u32;
	[bflag:$0x2] =	sbarrier.arrive $0xFFFF  }
0xb4: {  	p0 =	sne.s32 s0, $0x0;
	s0 =	rddreg [dreg:$0x3]  }
0xb5: {  	s0 =	sadd.s32 @!p0 $0x100000, s0  }
0xb6: {  	[sflag:s0] =	ssyncadd.tile.s32 @!p0 $0x1;
	_ =	shalt  }
.Lfunc_end2:
_tile_overlayer_lowered:
.L_overlay_start_2:
0xb7: {  	(tag) =	ssettag $0x2  }
0xb8: {  	s0 =	rddreg [dreg:$0x0];
	s2 =	stileid.u32  }
0xb9: {  	s1 =	rddreg [dreg:$0x1];
	p0 =	sne.s32 s2, $0x0  }
0xba: {  	s3 =	rddreg [dreg:$0x2];
	[bflag:$0x3] =	sbarrier.arrive $0xFFFF;
	s2 =	simm.s32 @!p0 $0x1C04  }
0xbb: {  	[timem:s3], [sflag:s2] =	dma.local @!p0 [hbm:s0], s1  }
0xbc: {  	s0 =	simm.s32 @!p0 $0x4  }
0xbd: {  	_ =	swait.ge @!p0 [sflag:s0], s1  }
0xbe: {  	s1 =	ssub.s32 @!p0 $0x0, s1;
	[sflag:s0] =	ssyncset.done @!p0 $0x0  }
0xbf: {  	[sflag:s0] =	ssyncadd.s32 @!p0 s1  }
0xc0: {  	[bflag:$0x3] =	sbarrier.arrive $0xFFFF  }
0xc1: {  	_ =	shalt  }

</sc_bundles>
